<compile_context>
chip_gen: v7x
topology: tpu7x:2x2x1
jax: 0.10.2.dev20260603
libtpu: 0.0.44.dev20260713+nightly
codegen_flags: <defaults>
</compile_context>

<pallas_src>
import functools

import jax
import jax.numpy as jnp
from jax import lax
from jax.experimental import pallas as pl
from jax.experimental.pallas import tpu as pltpu
from jax.experimental.pallas import tpu_sc as plsc

VOCAB = 1000
D_MODEL = 128
BATCH = 4096
HIST = 200
TOK = BATCH * HIST



def _m_body(e_ref, w_ref, m_ref):
    m_ref[...] = lax.dot_general(
        e_ref[...], w_ref[...], (((1,), (1,)), ((), ())),
        preferred_element_type=jnp.float32,
    ).astype(jnp.bfloat16)


def _m_table(embed_table, proj_w):
    return pl.pallas_call(
        _m_body,
        out_shape=jax.ShapeDtypeStruct((VOCAB, VOCAB), jnp.bfloat16),
    )(embed_table, proj_w)


def _logits_body(ids_ref, m_ref, b_ref, out_ref):
    ids = ids_ref[0]
    iota = lax.broadcasted_iota(jnp.int32, (VOCAB, HIST), 0)
    onehot_t = (iota == ids).astype(jnp.bfloat16)
    acc = lax.dot_general(
        onehot_t, m_ref[...], (((0,), (0,)), ((), ())),
        preferred_element_type=jnp.float32,
    )
    out_ref[0] = acc + b_ref[...]


def _logits(ids3, m_bf16, proj_b):
    return pl.pallas_call(
        _logits_body,
        grid=(BATCH,),
        in_specs=[
            pl.BlockSpec((1, 1, HIST), lambda i: (i, 0, 0)),
            pl.BlockSpec((VOCAB, VOCAB), lambda i: (0, 0)),
            pl.BlockSpec((1, VOCAB), lambda i: (0, 0)),
        ],
        out_specs=pl.BlockSpec((1, HIST, VOCAB), lambda i: (i, 0, 0)),
        out_shape=jax.ShapeDtypeStruct((BATCH, HIST, VOCAB), jnp.float32),
    )(ids3, m_bf16, proj_b.reshape(1, VOCAB))



NC = 2
NS = 16
NW = NC * NS
TPW = TOK // NW
BPW = BATCH // NW
CHUNK = 40
NRING = HIST // CHUNK


def _hidden_body(emb_hbm, ids_hbm, hidden_hbm, emb_sh, idx_v, bufs, sg, sw):
    cid = lax.axis_index("c")
    sid = lax.axis_index("s")
    wid = sid * NC + cid
    base = wid * TPW
    brow = wid * BPW

    @pl.when(sid == 0)
    def _stage():
        pltpu.sync_copy(emb_hbm, emb_sh)

    pltpu.sync_copy(ids_hbm.at[pl.ds(base, TPW)], idx_v)
    plsc.subcore_barrier()

    def fire_gather(g, k):
        idx_chunk = idx_v.at[pl.ds((g * NRING + k) * CHUNK, CHUNK)]
        pltpu.async_copy(emb_sh.at[idx_chunk], bufs[k], sg[k])

    def drain_gather(g, k):
        idx_chunk = idx_v.at[pl.ds((g * NRING + k) * CHUNK, CHUNK)]
        pltpu.make_async_copy(emb_sh.at[idx_chunk], bufs[k], sg[k]).wait()

    def fire_write(g, k):
        dst = hidden_hbm.at[brow + g, pl.ds(k * CHUNK, CHUNK)]
        pltpu.async_copy(bufs[k], dst, sw[k])

    def drain_write(g, k):
        dst = hidden_hbm.at[brow + g, pl.ds(k * CHUNK, CHUNK)]
        pltpu.make_async_copy(bufs[k], dst, sw[k]).wait()

    for k in range(NRING):
        fire_gather(0, k)

    def body(g, carry):
        for k in range(NRING):
            drain_gather(g, k)
            fire_write(g, k)
        for k in range(NRING):
            drain_write(g, k)
            fire_gather(g + 1, k)
        return carry

    lax.fori_loop(0, BPW - 1, body, 0)

    for k in range(NRING):
        drain_gather(BPW - 1, k)
        fire_write(BPW - 1, k)
    for k in range(NRING):
        drain_write(BPW - 1, k)


def _make_hidden():
    buf_types = [pltpu.VMEM((CHUNK, D_MODEL), jnp.float32)] * NRING
    sem_types = [pltpu.SemaphoreType.DMA] * NRING
    return functools.partial(
        pl.kernel,
        out_type=jax.ShapeDtypeStruct((BATCH, HIST, D_MODEL), jnp.float32),
        mesh=plsc.VectorSubcoreMesh(core_axis_name="c", subcore_axis_name="s"),
        scratch_types=[
            pltpu.VMEM_SHARED((VOCAB, D_MODEL), jnp.float32),
            pltpu.VMEM((TPW,), jnp.int32),
            buf_types, sem_types, sem_types,
        ],
        compiler_params=pltpu.CompilerParams(use_tc_tiling_on_sc=False),
    )(_hidden_body)


_hidden = _make_hidden()


def kernel(input_ids, embed_table, proj_w, proj_b):
    ids = input_ids.reshape(TOK).astype(jnp.int32)
    ids3 = input_ids.reshape(BATCH, 1, HIST).astype(jnp.int32)
    hidden = _hidden(embed_table, ids)
    m_bf16 = _m_table(embed_table, proj_w)
    logits = _logits(ids3, m_bf16, proj_b)
    return (logits, hidden)

# --- scband reference (transcript-rebuilt; emitter-appended) ---
"""Pipeline reference for scband-tiny-base-model-35974646071451 (READ-ONLY COPY).

The authoritative reference and input builder live on the scoring server;
editing this copy changes nothing except your own understanding.
"""

import jax, jax.numpy as jnp
import numpy as np

VOCAB = 1000
D_MODEL = 128
BATCH = 4096
HIST = 200


def setup_inputs(seed: int = 0) -> dict:
    key = jax.random.key(seed)
    k1, k2, k3, k4 = jax.random.split(key, 4)
    input_ids = jax.random.randint(k1, (BATCH, HIST), 0, VOCAB, dtype=jnp.int64 if jax.config.jax_enable_x64 else jnp.int32)
    embed_table = jax.random.normal(k2, (VOCAB, D_MODEL), dtype=jnp.float32)
    # nn.Linear(d_model, vocab): weight [vocab, d_model], bias [vocab]
    bound = 1.0 / np.sqrt(D_MODEL)
    proj_w = jax.random.uniform(k3, (VOCAB, D_MODEL), dtype=jnp.float32, minval=-bound, maxval=bound)
    proj_b = jax.random.uniform(k4, (VOCAB,), dtype=jnp.float32, minval=-bound, maxval=bound)
    return {"input_ids": input_ids, "embed_table": embed_table, "proj_w": proj_w, "proj_b": proj_b}


def reference(input_ids, embed_table, proj_w, proj_b):
    # hidden = Embedding(input_ids)
    hidden = jnp.take(embed_table, input_ids, axis=0)  # [B, L, d_model]
    # logits = Linear(hidden) = hidden @ W^T + b
    logits = jnp.einsum('bld,vd->blv', hidden, proj_w) + proj_b  # [B, L, vocab]
    return (logits, hidden)

if __name__ == "__main__":
    import jax
    _d = setup_inputs()
    print(jax.jit(kernel)(*tuple(_d.values())))

</pallas_src>

<mosaic_0001>
#map = affine_map<(d0, d1) -> (0, 0)>
#map1 = affine_map<(d0, d1) -> (0)>
#map2 = affine_map<(d0, d1) -> (0, 0, 0)>
module attributes {stable_mosaic.version = 14 : i64} {
  func.func @_hidden_body(%arg0: i32, %arg1: i32, %arg2: memref<1000x128xf32, #tpu.memory_space<hbm>>, %arg3: memref<819200xi32, #tpu.memory_space<hbm>>, %arg4: memref<4096x200x128xf32, #tpu.memory_space<hbm>>, %arg5: memref<1000x128xf32, #tpu.memory_space<vmem_shared>>, %arg6: memref<25600xi32, #tpu.memory_space<vmem>>, %arg7: memref<40x128xf32, #tpu.memory_space<vmem>>, %arg8: memref<40x128xf32, #tpu.memory_space<vmem>>, %arg9: memref<40x128xf32, #tpu.memory_space<vmem>>, %arg10: memref<40x128xf32, #tpu.memory_space<vmem>>, %arg11: memref<40x128xf32, #tpu.memory_space<vmem>>, %arg12: memref<!tpu.dma_semaphore, #tpu.memory_space<semaphore_mem>>, %arg13: memref<!tpu.dma_semaphore, #tpu.memory_space<semaphore_mem>>, %arg14: memref<!tpu.dma_semaphore, #tpu.memory_space<semaphore_mem>>, %arg15: memref<!tpu.dma_semaphore, #tpu.memory_space<semaphore_mem>>, %arg16: memref<!tpu.dma_semaphore, #tpu.memory_space<semaphore_mem>>, %arg17: memref<!tpu.dma_semaphore, #tpu.memory_space<semaphore_mem>>, %arg18: memref<!tpu.dma_semaphore, #tpu.memory_space<semaphore_mem>>, %arg19: memref<!tpu.dma_semaphore, #tpu.memory_space<semaphore_mem>>, %arg20: memref<!tpu.dma_semaphore, #tpu.memory_space<semaphore_mem>>, %arg21: memref<!tpu.dma_semaphore, #tpu.memory_space<semaphore_mem>>) attributes {dimension_semantics = [#tpu.dimension_semantics<core_parallel>, #tpu.dimension_semantics<subcore_parallel>], iteration_bounds = array<i64: 2, 16>, scalar_prefetch = 0 : i64, scratch_operands = 17 : i64, tpu.core_type = #tpu.core_type<sc_vector_subcore>, window_params = [{transform_indices = #map}, {transform_indices = #map1}, {transform_indices = #map2}]} {
    %mul3A = arith.constant 2 : i32
    %mul3A_0 = arith.muli %arg1, %mul3A : i32
    %add3A = arith.addi %mul3A_0, %arg0 : i32
    %mul3A_1 = arith.constant 25600 : i32
    %mul3A_2 = arith.muli %add3A, %mul3A_1 : i32
    %mul3A_3 = arith.constant 128 : i32
    %mul3A_4 = arith.muli %add3A, %mul3A_3 : i32
    %eq3A = arith.constant 0 : i32
    %eq3A_5 = arith.cmpi eq, %arg1, %eq3A : i32
    %convert_element_type3A = arith.extui %eq3A_5 : i1 to i32
    %cond3A = arith.constant 0 : i32
    %cond3A_6 = arith.cmpi ne, %convert_element_type3A, %cond3A : i32
    scf.if %cond3A_6 {
      "tpu.region"() ({
        %run_scoped3A = tpu.sem_alloc : memref<!tpu.dma_semaphore, #tpu.memory_space<semaphore_mem>>
        tpu.enqueue_dma source(%arg2 : memref<1000x128xf32, #tpu.memory_space<hbm>>) target(%arg5 : memref<1000x128xf32, #tpu.memory_space<vmem_shared>>) target_semaphore(%run_scoped3A : memref<!tpu.dma_semaphore, #tpu.memory_space<semaphore_mem>>)
        tpu.wait_dma2 semaphore(%run_scoped3A : memref<!tpu.dma_semaphore, #tpu.memory_space<semaphore_mem>>) src(%arg2 : memref<1000x128xf32, #tpu.memory_space<hbm>>) dst(%arg5 : memref<1000x128xf32, #tpu.memory_space<vmem_shared>>)
        tpu.yield
      }) : () -> ()
    } else {
    }
    "tpu.region"() ({
      %run_scoped3A = tpu.sem_alloc : memref<!tpu.dma_semaphore, #tpu.memory_space<semaphore_mem>>
      %dma_start3A_160 = tpu.memref_slice %arg3[%mul3A_2] : memref<819200xi32, #tpu.memory_space<hbm>> -> memref<25600xi32, #tpu.memory_space<hbm>>
      %dma_start3A_161 = tpu.memref_slice %arg3[%mul3A_2] : memref<819200xi32, #tpu.memory_space<hbm>> -> memref<25600xi32, #tpu.memory_space<hbm>>
      tpu.enqueue_dma source(%dma_start3A_161 : memref<25600xi32, #tpu.memory_space<hbm>>) target(%arg6 : memref<25600xi32, #tpu.memory_space<vmem>>) target_semaphore(%run_scoped3A : memref<!tpu.dma_semaphore, #tpu.memory_space<semaphore_mem>>)
      %dma_wait3A_162 = tpu.memref_slice %arg3[%mul3A_2] : memref<819200xi32, #tpu.memory_space<hbm>> -> memref<25600xi32, #tpu.memory_space<hbm>>
      %dma_wait3A_163 = tpu.memref_slice %arg3[%mul3A_2] : memref<819200xi32, #tpu.memory_space<hbm>> -> memref<25600xi32, #tpu.memory_space<hbm>>
      tpu.wait_dma2 semaphore(%run_scoped3A : memref<!tpu.dma_semaphore, #tpu.memory_space<semaphore_mem>>) src(%dma_wait3A_163 : memref<25600xi32, #tpu.memory_space<hbm>>) dst(%arg6 : memref<25600xi32, #tpu.memory_space<vmem>>)
      tpu.yield
    }) : () -> ()
    %barrier3A = arith.constant 0 : index
    tpu.barrier barrier_id(%barrier3A)
    %dma_start3A = arith.constant 0 : i32
    %dma_start3A_7 = tpu.memref_slice %arg6[%dma_start3A] : memref<25600xi32, #tpu.memory_space<vmem>> -> memref<40xi32, #tpu.memory_space<vmem>>
    %dma_start3A_8 = arith.constant 0 : i32
    %dma_start3A_9 = arith.constant 0 : i32
    %dma_start3A_10 = tpu.memref_slice %arg5[%dma_start3A_8, %dma_start3A_9] : memref<1000x128xf32, #tpu.memory_space<vmem_shared>> -> memref<1000x128xf32, #tpu.memory_space<vmem_shared>>
    tpu.enqueue_indirect_dma source(%dma_start3A_10 : memref<1000x128xf32, #tpu.memory_space<vmem_shared>>) target(%arg7 : memref<40x128xf32, #tpu.memory_space<vmem>>) offsets(%dma_start3A_7 : memref<40xi32, #tpu.memory_space<vmem>>) semaphore(%arg12 : memref<!tpu.dma_semaphore, #tpu.memory_space<semaphore_mem>>)
    %dma_start3A_11 = arith.constant 40 : i32
    %dma_start3A_12 = tpu.memref_slice %arg6[%dma_start3A_11] : memref<25600xi32, #tpu.memory_space<vmem>> -> memref<40xi32, #tpu.memory_space<vmem>>
    %dma_start3A_13 = arith.constant 0 : i32
    %dma_start3A_14 = arith.constant 0 : i32
    %dma_start3A_15 = tpu.memref_slice %arg5[%dma_start3A_13, %dma_start3A_14] : memref<1000x128xf32, #tpu.memory_space<vmem_shared>> -> memref<1000x128xf32, #tpu.memory_space<vmem_shared>>
    tpu.enqueue_indirect_dma source(%dma_start3A_15 : memref<1000x128xf32, #tpu.memory_space<vmem_shared>>) target(%arg8 : memref<40x128xf32, #tpu.memory_space<vmem>>) offsets(%dma_start3A_12 : memref<40xi32, #tpu.memory_space<vmem>>) semaphore(%arg13 : memref<!tpu.dma_semaphore, #tpu.memory_space<semaphore_mem>>)
    %dma_start3A_16 = arith.constant 80 : i32
    %dma_start3A_17 = tpu.memref_slice %arg6[%dma_start3A_16] : memref<25600xi32, #tpu.memory_space<vmem>> -> memref<40xi32, #tpu.memory_space<vmem>>
    %dma_start3A_18 = arith.constant 0 : i32
    %dma_start3A_19 = arith.constant 0 : i32
    %dma_start3A_20 = tpu.memref_slice %arg5[%dma_start3A_18, %dma_start3A_19] : memref<1000x128xf32, #tpu.memory_space<vmem_shared>> -> memref<1000x128xf32, #tpu.memory_space<vmem_shared>>
    tpu.enqueue_indirect_dma source(%dma_start3A_20 : memref<1000x128xf32, #tpu.memory_space<vmem_shared>>) target(%arg9 : memref<40x128xf32, #tpu.memory_space<vmem>>) offsets(%dma_start3A_17 : memref<40xi32, #tpu.memory_space<vmem>>) semaphore(%arg14 : memref<!tpu.dma_semaphore, #tpu.memory_space<semaphore_mem>>)
    %dma_start3A_21 = arith.constant 120 : i32
    %dma_start3A_22 = tpu.memref_slice %arg6[%dma_start3A_21] : memref<25600xi32, #tpu.memory_space<vmem>> -> memref<40xi32, #tpu.memory_space<vmem>>
    %dma_start3A_23 = arith.constant 0 : i32
    %dma_start3A_24 = arith.constant 0 : i32
    %dma_start3A_25 = tpu.memref_slice %arg5[%dma_start3A_23, %dma_start3A_24] : memref<1000x128xf32, #tpu.memory_space<vmem_shared>> -> memref<1000x128xf32, #tpu.memory_space<vmem_shared>>
    tpu.enqueue_indirect_dma source(%dma_start3A_25 : memref<1000x128xf32, #tpu.memory_space<vmem_shared>>) target(%arg10 : memref<40x128xf32, #tpu.memory_space<vmem>>) offsets(%dma_start3A_22 : memref<40xi32, #tpu.memory_space<vmem>>) semaphore(%arg15 : memref<!tpu.dma_semaphore, #tpu.memory_space<semaphore_mem>>)
    %dma_start3A_26 = arith.constant 160 : i32
    %dma_start3A_27 = tpu.memref_slice %arg6[%dma_start3A_26] : memref<25600xi32, #tpu.memory_space<vmem>> -> memref<40xi32, #tpu.memory_space<vmem>>
    %dma_start3A_28 = arith.constant 0 : i32
    %dma_start3A_29 = arith.constant 0 : i32
    %dma_start3A_30 = tpu.memref_slice %arg5[%dma_start3A_28, %dma_start3A_29] : memref<1000x128xf32, #tpu.memory_space<vmem_shared>> -> memref<1000x128xf32, #tpu.memory_space<vmem_shared>>
    tpu.enqueue_indirect_dma source(%dma_start3A_30 : memref<1000x128xf32, #tpu.memory_space<vmem_shared>>) target(%arg11 : memref<40x128xf32, #tpu.memory_space<vmem>>) offsets(%dma_start3A_27 : memref<40xi32, #tpu.memory_space<vmem>>) semaphore(%arg16 : memref<!tpu.dma_semaphore, #tpu.memory_space<semaphore_mem>>)
    %scan3A = arith.constant 0 : i32
    %scan3A_31 = arith.constant 0 : i32
    %scan3A_32 = arith.constant 127 : i32
    %scan3A_33 = arith.addi %scan3A_31, %scan3A_32 : i32
    %scan3A_34 = arith.constant 1 : i32
    scf.for %scan3A_160 = %scan3A_31 to %scan3A_33 step %scan3A_34  : i32 {
      %mul3A_161 = arith.constant 5 : i32
      %mul3A_162 = arith.muli %scan3A_160, %mul3A_161 : i32
      %add3A_163 = arith.constant 0 : i32
      %add3A_164 = arith.addi %mul3A_162, %add3A_163 : i32
      %mul3A_165 = arith.constant 40 : i32
      %mul3A_166 = arith.muli %add3A_164, %mul3A_165 : i32
      %dma_wait3A_167 = tpu.memref_slice %arg6[%mul3A_166] : memref<25600xi32, #tpu.memory_space<vmem>> -> memref<40xi32, #tpu.memory_space<vmem>>
      %dma_wait3A_168 = arith.constant 0 : i32
      %dma_wait3A_169 = arith.constant 0 : i32
      %dma_wait3A_170 = tpu.memref_slice %arg5[%dma_wait3A_168, %dma_wait3A_169] : memref<1000x128xf32, #tpu.memory_space<vmem_shared>> -> memref<1000x128xf32, #tpu.memory_space<vmem_shared>>
      tpu.wait_indirect_dma semaphore(%arg12 : memref<!tpu.dma_semaphore, #tpu.memory_space<semaphore_mem>>) src(%dma_wait3A_170 : memref<1000x128xf32, #tpu.memory_space<vmem_shared>>) dst(%arg7 : memref<40x128xf32, #tpu.memory_space<vmem>>)
      %add3A_171 = arith.addi %mul3A_4, %scan3A_160 : i32
      %dma_start3A_172 = arith.constant 0 : i32
      %dma_start3A_173 = arith.constant 0 : i32
      %dma_start3A_174 = tpu.memref_slice %arg4[%add3A_171, %dma_start3A_172, %dma_start3A_173] : memref<4096x200x128xf32, #tpu.memory_space<hbm>> -> memref<1x40x128xf32, #tpu.memory_space<hbm>>
      %dma_start3A_175 = tpu.memref_squeeze %dma_start3A_174 : memref<1x40x128xf32, #tpu.memory_space<hbm>> -> memref<40x128xf32, #tpu.memory_space<hbm>>
      %dma_start3A_176 = arith.constant 0 : i32
      %dma_start3A_177 = arith.constant 0 : i32
      %dma_start3A_178 = tpu.memref_slice %arg4[%add3A_171, %dma_start3A_176, %dma_start3A_177] : memref<4096x200x128xf32, #tpu.memory_space<hbm>> -> memref<1x40x128xf32, #tpu.memory_space<hbm>>
      %dma_start3A_179 = tpu.memref_squeeze %dma_start3A_178 : memref<1x40x128xf32, #tpu.memory_space<hbm>> -> memref<40x128xf32, #tpu.memory_space<hbm>>
      tpu.enqueue_dma source(%arg7 : memref<40x128xf32, #tpu.memory_space<vmem>>) target(%dma_start3A_179 : memref<40x128xf32, #tpu.memory_space<hbm>>) target_semaphore(%arg17 : memref<!tpu.dma_semaphore, #tpu.memory_space<semaphore_mem>>)
      %mul3A_180 = arith.constant 5 : i32
      %mul3A_181 = arith.muli %scan3A_160, %mul3A_180 : i32
      %add3A_182 = arith.constant 1 : i32
      %add3A_183 = arith.addi %mul3A_181, %add3A_182 : i32
      %mul3A_184 = arith.constant 40 : i32
      %mul3A_185 = arith.muli %add3A_183, %mul3A_184 : i32
      %dma_wait3A_186 = tpu.memref_slice %arg6[%mul3A_185] : memref<25600xi32, #tpu.memory_space<vmem>> -> memref<40xi32, #tpu.memory_space<vmem>>
      %dma_wait3A_187 = arith.constant 0 : i32
      %dma_wait3A_188 = arith.constant 0 : i32
      %dma_wait3A_189 = tpu.memref_slice %arg5[%dma_wait3A_187, %dma_wait3A_188] : memref<1000x128xf32, #tpu.memory_space<vmem_shared>> -> memref<1000x128xf32, #tpu.memory_space<vmem_shared>>
      tpu.wait_indirect_dma semaphore(%arg13 : memref<!tpu.dma_semaphore, #tpu.memory_space<semaphore_mem>>) src(%dma_wait3A_189 : memref<1000x128xf32, #tpu.memory_space<vmem_shared>>) dst(%arg8 : memref<40x128xf32, #tpu.memory_space<vmem>>)
      %add3A_190 = arith.addi %mul3A_4, %scan3A_160 : i32
      %dma_start3A_191 = arith.constant 40 : i32
      %dma_start3A_192 = arith.constant 0 : i32
      %dma_start3A_193 = tpu.memref_slice %arg4[%add3A_190, %dma_start3A_191, %dma_start3A_192] : memref<4096x200x128xf32, #tpu.memory_space<hbm>> -> memref<1x40x128xf32, #tpu.memory_space<hbm>>
      %dma_start3A_194 = tpu.memref_squeeze %dma_start3A_193 : memref<1x40x128xf32, #tpu.memory_space<hbm>> -> memref<40x128xf32, #tpu.memory_space<hbm>>
      %dma_start3A_195 = arith.constant 40 : i32
      %dma_start3A_196 = arith.constant 0 : i32
      %dma_start3A_197 = tpu.memref_slice %arg4[%add3A_190, %dma_start3A_195, %dma_start3A_196] : memref<4096x200x128xf32, #tpu.memory_space<hbm>> -> memref<1x40x128xf32, #tpu.memory_space<hbm>>
      %dma_start3A_198 = tpu.memref_squeeze %dma_start3A_197 : memref<1x40x128xf32, #tpu.memory_space<hbm>> -> memref<40x128xf32, #tpu.memory_space<hbm>>
      tpu.enqueue_dma source(%arg8 : memref<40x128xf32, #tpu.memory_space<vmem>>) target(%dma_start3A_198 : memref<40x128xf32, #tpu.memory_space<hbm>>) target_semaphore(%arg18 : memref<!tpu.dma_semaphore, #tpu.memory_space<semaphore_mem>>)
      %mul3A_199 = arith.constant 5 : i32
      %mul3A_200 = arith.muli %scan3A_160, %mul3A_199 : i32
      %add3A_201 = arith.constant 2 : i32
      %add3A_202 = arith.addi %mul3A_200, %add3A_201 : i32
      %mul3A_203 = arith.constant 40 : i32
      %mul3A_204 = arith.muli %add3A_202, %mul3A_203 : i32
      %dma_wait3A_205 = tpu.memref_slice %arg6[%mul3A_204] : memref<25600xi32, #tpu.memory_space<vmem>> -> memref<40xi32, #tpu.memory_space<vmem>>
      %dma_wait3A_206 = arith.constant 0 : i32
      %dma_wait3A_207 = arith.constant 0 : i32
      %dma_wait3A_208 = tpu.memref_slice %arg5[%dma_wait3A_206, %dma_wait3A_207] : memref<1000x128xf32, #tpu.memory_space<vmem_shared>> -> memref<1000x128xf32, #tpu.memory_space<vmem_shared>>
      tpu.wait_indirect_dma semaphore(%arg14 : memref<!tpu.dma_semaphore, #tpu.memory_space<semaphore_mem>>) src(%dma_wait3A_208 : memref<1000x128xf32, #tpu.memory_space<vmem_shared>>) dst(%arg9 : memref<40x128xf32, #tpu.memory_space<vmem>>)
      %add3A_209 = arith.addi %mul3A_4, %scan3A_160 : i32
      %dma_start3A_210 = arith.constant 80 : i32
      %dma_start3A_211 = arith.constant 0 : i32
      %dma_start3A_212 = tpu.memref_slice %arg4[%add3A_209, %dma_start3A_210, %dma_start3A_211] : memref<4096x200x128xf32, #tpu.memory_space<hbm>> -> memref<1x40x128xf32, #tpu.memory_space<hbm>>
      %dma_start3A_213 = tpu.memref_squeeze %dma_start3A_212 : memref<1x40x128xf32, #tpu.memory_space<hbm>> -> memref<40x128xf32, #tpu.memory_space<hbm>>
      %dma_start3A_214 = arith.constant 80 : i32
      %dma_start3A_215 = arith.constant 0 : i32
      %dma_start3A_216 = tpu.memref_slice %arg4[%add3A_209, %dma_start3A_214, %dma_start3A_215] : memref<4096x200x128xf32, #tpu.memory_space<hbm>> -> memref<1x40x128xf32, #tpu.memory_space<hbm>>
      %dma_start3A_217 = tpu.memref_squeeze %dma_start3A_216 : memref<1x40x128xf32, #tpu.memory_space<hbm>> -> memref<40x128xf32, #tpu.memory_space<hbm>>
      tpu.enqueue_dma source(%arg9 : memref<40x128xf32, #tpu.memory_space<vmem>>) target(%dma_start3A_217 : memref<40x128xf32, #tpu.memory_space<hbm>>) target_semaphore(%arg19 : memref<!tpu.dma_semaphore, #tpu.memory_space<semaphore_mem>>)
      %mul3A_218 = arith.constant 5 : i32
      %mul3A_219 = arith.muli %scan3A_160, %mul3A_218 : i32
      %add3A_220 = arith.constant 3 : i32
      %add3A_221 = arith.addi %mul3A_219, %add3A_220 : i32
      %mul3A_222 = arith.constant 40 : i32
      %mul3A_223 = arith.muli %add3A_221, %mul3A_222 : i32
      %dma_wait3A_224 = tpu.memref_slice %arg6[%mul3A_223] : memref<25600xi32, #tpu.memory_space<vmem>> -> memref<40xi32, #tpu.memory_space<vmem>>
      %dma_wait3A_225 = arith.constant 0 : i32
      %dma_wait3A_226 = arith.constant 0 : i32
      %dma_wait3A_227 = tpu.memref_slice %arg5[%dma_wait3A_225, %dma_wait3A_226] : memref<1000x128xf32, #tpu.memory_space<vmem_shared>> -> memref<1000x128xf32, #tpu.memory_space<vmem_shared>>
      tpu.wait_indirect_dma semaphore(%arg15 : memref<!tpu.dma_semaphore, #tpu.memory_space<semaphore_mem>>) src(%dma_wait3A_227 : memref<1000x128xf32, #tpu.memory_space<vmem_shared>>) dst(%arg10 : memref<40x128xf32, #tpu.memory_space<vmem>>)
      %add3A_228 = arith.addi %mul3A_4, %scan3A_160 : i32
      %dma_start3A_229 = arith.constant 120 : i32
      %dma_start3A_230 = arith.constant 0 : i32
      %dma_start3A_231 = tpu.memref_slice %arg4[%add3A_228, %dma_start3A_229, %dma_start3A_230] : memref<4096x200x128xf32, #tpu.memory_space<hbm>> -> memref<1x40x128xf32, #tpu.memory_space<hbm>>
      %dma_start3A_232 = tpu.memref_squeeze %dma_start3A_231 : memref<1x40x128xf32, #tpu.memory_space<hbm>> -> memref<40x128xf32, #tpu.memory_space<hbm>>
      %dma_start3A_233 = arith.constant 120 : i32
      %dma_start3A_234 = arith.constant 0 : i32
      %dma_start3A_235 = tpu.memref_slice %arg4[%add3A_228, %dma_start3A_233, %dma_start3A_234] : memref<4096x200x128xf32, #tpu.memory_space<hbm>> -> memref<1x40x128xf32, #tpu.memory_space<hbm>>
      %dma_start3A_236 = tpu.memref_squeeze %dma_start3A_235 : memref<1x40x128xf32, #tpu.memory_space<hbm>> -> memref<40x128xf32, #tpu.memory_space<hbm>>
      tpu.enqueue_dma source(%arg10 : memref<40x128xf32, #tpu.memory_space<vmem>>) target(%dma_start3A_236 : memref<40x128xf32, #tpu.memory_space<hbm>>) target_semaphore(%arg20 : memref<!tpu.dma_semaphore, #tpu.memory_space<semaphore_mem>>)
      %mul3A_237 = arith.constant 5 : i32
      %mul3A_238 = arith.muli %scan3A_160, %mul3A_237 : i32
      %add3A_239 = arith.constant 4 : i32
      %add3A_240 = arith.addi %mul3A_238, %add3A_239 : i32
      %mul3A_241 = arith.constant 40 : i32
      %mul3A_242 = arith.muli %add3A_240, %mul3A_241 : i32
      %dma_wait3A_243 = tpu.memref_slice %arg6[%mul3A_242] : memref<25600xi32, #tpu.memory_space<vmem>> -> memref<40xi32, #tpu.memory_space<vmem>>
      %dma_wait3A_244 = arith.constant 0 : i32
      %dma_wait3A_245 = arith.constant 0 : i32
      %dma_wait3A_246 = tpu.memref_slice %arg5[%dma_wait3A_244, %dma_wait3A_245] : memref<1000x128xf32, #tpu.memory_space<vmem_shared>> -> memref<1000x128xf32, #tpu.memory_space<vmem_shared>>
      tpu.wait_indirect_dma semaphore(%arg16 : memref<!tpu.dma_semaphore, #tpu.memory_space<semaphore_mem>>) src(%dma_wait3A_246 : memref<1000x128xf32, #tpu.memory_space<vmem_shared>>) dst(%arg11 : memref<40x128xf32, #tpu.memory_space<vmem>>)
      %add3A_247 = arith.addi %mul3A_4, %scan3A_160 : i32
      %dma_start3A_248 = arith.constant 160 : i32
      %dma_start3A_249 = arith.constant 0 : i32
      %dma_start3A_250 = tpu.memref_slice %arg4[%add3A_247, %dma_start3A_248, %dma_start3A_249] : memref<4096x200x128xf32, #tpu.memory_space<hbm>> -> memref<1x40x128xf32, #tpu.memory_space<hbm>>
      %dma_start3A_251 = tpu.memref_squeeze %dma_start3A_250 : memref<1x40x128xf32, #tpu.memory_space<hbm>> -> memref<40x128xf32, #tpu.memory_space<hbm>>
      %dma_start3A_252 = arith.constant 160 : i32
      %dma_start3A_253 = arith.constant 0 : i32
      %dma_start3A_254 = tpu.memref_slice %arg4[%add3A_247, %dma_start3A_252, %dma_start3A_253] : memref<4096x200x128xf32, #tpu.memory_space<hbm>> -> memref<1x40x128xf32, #tpu.memory_space<hbm>>
      %dma_start3A_255 = tpu.memref_squeeze %dma_start3A_254 : memref<1x40x128xf32, #tpu.memory_space<hbm>> -> memref<40x128xf32, #tpu.memory_space<hbm>>
      tpu.enqueue_dma source(%arg11 : memref<40x128xf32, #tpu.memory_space<vmem>>) target(%dma_start3A_255 : memref<40x128xf32, #tpu.memory_space<hbm>>) target_semaphore(%arg21 : memref<!tpu.dma_semaphore, #tpu.memory_space<semaphore_mem>>)
      %add3A_256 = arith.addi %mul3A_4, %scan3A_160 : i32
      %dma_wait3A_257 = arith.constant 0 : i32
      %dma_wait3A_258 = arith.constant 0 : i32
      %dma_wait3A_259 = tpu.memref_slice %arg4[%add3A_256, %dma_wait3A_257, %dma_wait3A_258] : memref<4096x200x128xf32, #tpu.memory_space<hbm>> -> memref<1x40x128xf32, #tpu.memory_space<hbm>>
      %dma_wait3A_260 = tpu.memref_squeeze %dma_wait3A_259 : memref<1x40x128xf32, #tpu.memory_space<hbm>> -> memref<40x128xf32, #tpu.memory_space<hbm>>
      %dma_wait3A_261 = arith.constant 0 : i32
      %dma_wait3A_262 = arith.constant 0 : i32
      %dma_wait3A_263 = tpu.memref_slice %arg4[%add3A_256, %dma_wait3A_261, %dma_wait3A_262] : memref<4096x200x128xf32, #tpu.memory_space<hbm>> -> memref<1x40x128xf32, #tpu.memory_space<hbm>>
      %dma_wait3A_264 = tpu.memref_squeeze %dma_wait3A_263 : memref<1x40x128xf32, #tpu.memory_space<hbm>> -> memref<40x128xf32, #tpu.memory_space<hbm>>
      tpu.wait_dma2 semaphore(%arg17 : memref<!tpu.dma_semaphore, #tpu.memory_space<semaphore_mem>>) src(%arg7 : memref<40x128xf32, #tpu.memory_space<vmem>>) dst(%dma_wait3A_264 : memref<40x128xf32, #tpu.memory_space<hbm>>)
      %add3A_265 = arith.constant 1 : i32
      %add3A_266 = arith.addi %scan3A_160, %add3A_265 : i32
      %mul3A_267 = arith.constant 5 : i32
      %mul3A_268 = arith.muli %add3A_266, %mul3A_267 : i32
      %add3A_269 = arith.constant 0 : i32
      %add3A_270 = arith.addi %mul3A_268, %add3A_269 : i32
      %mul3A_271 = arith.constant 40 : i32
      %mul3A_272 = arith.muli %add3A_270, %mul3A_271 : i32
      %dma_start3A_273 = tpu.memref_slice %arg6[%mul3A_272] : memref<25600xi32, #tpu.memory_space<vmem>> -> memref<40xi32, #tpu.memory_space<vmem>>
      %dma_start3A_274 = arith.constant 0 : i32
      %dma_start3A_275 = arith.constant 0 : i32
      %dma_start3A_276 = tpu.memref_slice %arg5[%dma_start3A_274, %dma_start3A_275] : memref<1000x128xf32, #tpu.memory_space<vmem_shared>> -> memref<1000x128xf32, #tpu.memory_space<vmem_shared>>
      tpu.enqueue_indirect_dma source(%dma_start3A_276 : memref<1000x128xf32, #tpu.memory_space<vmem_shared>>) target(%arg7 : memref<40x128xf32, #tpu.memory_space<vmem>>) offsets(%dma_start3A_273 : memref<40xi32, #tpu.memory_space<vmem>>) semaphore(%arg12 : memref<!tpu.dma_semaphore, #tpu.memory_space<semaphore_mem>>)
      %add3A_277 = arith.addi %mul3A_4, %scan3A_160 : i32
      %dma_wait3A_278 = arith.constant 40 : i32
      %dma_wait3A_279 = arith.constant 0 : i32
      %dma_wait3A_280 = tpu.memref_slice %arg4[%add3A_277, %dma_wait3A_278, %dma_wait3A_279] : memref<4096x200x128xf32, #tpu.memory_space<hbm>> -> memref<1x40x128xf32, #tpu.memory_space<hbm>>
      %dma_wait3A_281 = tpu.memref_squeeze %dma_wait3A_280 : memref<1x40x128xf32, #tpu.memory_space<hbm>> -> memref<40x128xf32, #tpu.memory_space<hbm>>
      %dma_wait3A_282 = arith.constant 40 : i32
      %dma_wait3A_283 = arith.constant 0 : i32
      %dma_wait3A_284 = tpu.memref_slice %arg4[%add3A_277, %dma_wait3A_282, %dma_wait3A_283] : memref<4096x200x128xf32, #tpu.memory_space<hbm>> -> memref<1x40x128xf32, #tpu.memory_space<hbm>>
      %dma_wait3A_285 = tpu.memref_squeeze %dma_wait3A_284 : memref<1x40x128xf32, #tpu.memory_space<hbm>> -> memref<40x128xf32, #tpu.memory_space<hbm>>
      tpu.wait_dma2 semaphore(%arg18 : memref<!tpu.dma_semaphore, #tpu.memory_space<semaphore_mem>>) src(%arg8 : memref<40x128xf32, #tpu.memory_space<vmem>>) dst(%dma_wait3A_285 : memref<40x128xf32, #tpu.memory_space<hbm>>)
      %add3A_286 = arith.constant 1 : i32
      %add3A_287 = arith.addi %scan3A_160, %add3A_286 : i32
      %mul3A_288 = arith.constant 5 : i32
      %mul3A_289 = arith.muli %add3A_287, %mul3A_288 : i32
      %add3A_290 = arith.constant 1 : i32
      %add3A_291 = arith.addi %mul3A_289, %add3A_290 : i32
      %mul3A_292 = arith.constant 40 : i32
      %mul3A_293 = arith.muli %add3A_291, %mul3A_292 : i32
      %dma_start3A_294 = tpu.memref_slice %arg6[%mul3A_293] : memref<25600xi32, #tpu.memory_space<vmem>> -> memref<40xi32, #tpu.memory_space<vmem>>
      %dma_start3A_295 = arith.constant 0 : i32
      %dma_start3A_296 = arith.constant 0 : i32
      %dma_start3A_297 = tpu.memref_slice %arg5[%dma_start3A_295, %dma_start3A_296] : memref<1000x128xf32, #tpu.memory_space<vmem_shared>> -> memref<1000x128xf32, #tpu.memory_space<vmem_shared>>
      tpu.enqueue_indirect_dma source(%dma_start3A_297 : memref<1000x128xf32, #tpu.memory_space<vmem_shared>>) target(%arg8 : memref<40x128xf32, #tpu.memory_space<vmem>>) offsets(%dma_start3A_294 : memref<40xi32, #tpu.memory_space<vmem>>) semaphore(%arg13 : memref<!tpu.dma_semaphore, #tpu.memory_space<semaphore_mem>>)
      %add3A_298 = arith.addi %mul3A_4, %scan3A_160 : i32
      %dma_wait3A_299 = arith.constant 80 : i32
      %dma_wait3A_300 = arith.constant 0 : i32
      %dma_wait3A_301 = tpu.memref_slice %arg4[%add3A_298, %dma_wait3A_299, %dma_wait3A_300] : memref<4096x200x128xf32, #tpu.memory_space<hbm>> -> memref<1x40x128xf32, #tpu.memory_space<hbm>>
      %dma_wait3A_302 = tpu.memref_squeeze %dma_wait3A_301 : memref<1x40x128xf32, #tpu.memory_space<hbm>> -> memref<40x128xf32, #tpu.memory_space<hbm>>
      %dma_wait3A_303 = arith.constant 80 : i32
      %dma_wait3A_304 = arith.constant 0 : i32
      %dma_wait3A_305 = tpu.memref_slice %arg4[%add3A_298, %dma_wait3A_303, %dma_wait3A_304] : memref<4096x200x128xf32, #tpu.memory_space<hbm>> -> memref<1x40x128xf32, #tpu.memory_space<hbm>>
      %dma_wait3A_306 = tpu.memref_squeeze %dma_wait3A_305 : memref<1x40x128xf32, #tpu.memory_space<hbm>> -> memref<40x128xf32, #tpu.memory_space<hbm>>
      tpu.wait_dma2 semaphore(%arg19 : memref<!tpu.dma_semaphore, #tpu.memory_space<semaphore_mem>>) src(%arg9 : memref<40x128xf32, #tpu.memory_space<vmem>>) dst(%dma_wait3A_306 : memref<40x128xf32, #tpu.memory_space<hbm>>)
      %add3A_307 = arith.constant 1 : i32
      %add3A_308 = arith.addi %scan3A_160, %add3A_307 : i32
      %mul3A_309 = arith.constant 5 : i32
      %mul3A_310 = arith.muli %add3A_308, %mul3A_309 : i32
      %add3A_311 = arith.constant 2 : i32
      %add3A_312 = arith.addi %mul3A_310, %add3A_311 : i32
      %mul3A_313 = arith.constant 40 : i32
      %mul3A_314 = arith.muli %add3A_312, %mul3A_313 : i32
      %dma_start3A_315 = tpu.memref_slice %arg6[%mul3A_314] : memref<25600xi32, #tpu.memory_space<vmem>> -> memref<40xi32, #tpu.memory_space<vmem>>
      %dma_start3A_316 = arith.constant 0 : i32
      %dma_start3A_317 = arith.constant 0 : i32
      %dma_start3A_318 = tpu.memref_slice %arg5[%dma_start3A_316, %dma_start3A_317] : memref<1000x128xf32, #tpu.memory_space<vmem_shared>> -> memref<1000x128xf32, #tpu.memory_space<vmem_shared>>
      tpu.enqueue_indirect_dma source(%dma_start3A_318 : memref<1000x128xf32, #tpu.memory_space<vmem_shared>>) target(%arg9 : memref<40x128xf32, #tpu.memory_space<vmem>>) offsets(%dma_start3A_315 : memref<40xi32, #tpu.memory_space<vmem>>) semaphore(%arg14 : memref<!tpu.dma_semaphore, #tpu.memory_space<semaphore_mem>>)
      %add3A_319 = arith.addi %mul3A_4, %scan3A_160 : i32
      %dma_wait3A_320 = arith.constant 120 : i32
      %dma_wait3A_321 = arith.constant 0 : i32
      %dma_wait3A_322 = tpu.memref_slice %arg4[%add3A_319, %dma_wait3A_320, %dma_wait3A_321] : memref<4096x200x128xf32, #tpu.memory_space<hbm>> -> memref<1x40x128xf32, #tpu.memory_space<hbm>>
      %dma_wait3A_323 = tpu.memref_squeeze %dma_wait3A_322 : memref<1x40x128xf32, #tpu.memory_space<hbm>> -> memref<40x128xf32, #tpu.memory_space<hbm>>
      %dma_wait3A_324 = arith.constant 120 : i32
      %dma_wait3A_325 = arith.constant 0 : i32
      %dma_wait3A_326 = tpu.memref_slice %arg4[%add3A_319, %dma_wait3A_324, %dma_wait3A_325] : memref<4096x200x128xf32, #tpu.memory_space<hbm>> -> memref<1x40x128xf32, #tpu.memory_space<hbm>>
      %dma_wait3A_327 = tpu.memref_squeeze %dma_wait3A_326 : memref<1x40x128xf32, #tpu.memory_space<hbm>> -> memref<40x128xf32, #tpu.memory_space<hbm>>
      tpu.wait_dma2 semaphore(%arg20 : memref<!tpu.dma_semaphore, #tpu.memory_space<semaphore_mem>>) src(%arg10 : memref<40x128xf32, #tpu.memory_space<vmem>>) dst(%dma_wait3A_327 : memref<40x128xf32, #tpu.memory_space<hbm>>)
      %add3A_328 = arith.constant 1 : i32
      %add3A_329 = arith.addi %scan3A_160, %add3A_328 : i32
      %mul3A_330 = arith.constant 5 : i32
      %mul3A_331 = arith.muli %add3A_329, %mul3A_330 : i32
      %add3A_332 = arith.constant 3 : i32
      %add3A_333 = arith.addi %mul3A_331, %add3A_332 : i32
      %mul3A_334 = arith.constant 40 : i32
      %mul3A_335 = arith.muli %add3A_333, %mul3A_334 : i32
      %dma_start3A_336 = tpu.memref_slice %arg6[%mul3A_335] : memref<25600xi32, #tpu.memory_space<vmem>> -> memref<40xi32, #tpu.memory_space<vmem>>
      %dma_start3A_337 = arith.constant 0 : i32
      %dma_start3A_338 = arith.constant 0 : i32
      %dma_start3A_339 = tpu.memref_slice %arg5[%dma_start3A_337, %dma_start3A_338] : memref<1000x128xf32, #tpu.memory_space<vmem_shared>> -> memref<1000x128xf32, #tpu.memory_space<vmem_shared>>
      tpu.enqueue_indirect_dma source(%dma_start3A_339 : memref<1000x128xf32, #tpu.memory_space<vmem_shared>>) target(%arg10 : memref<40x128xf32, #tpu.memory_space<vmem>>) offsets(%dma_start3A_336 : memref<40xi32, #tpu.memory_space<vmem>>) semaphore(%arg15 : memref<!tpu.dma_semaphore, #tpu.memory_space<semaphore_mem>>)
      %add3A_340 = arith.addi %mul3A_4, %scan3A_160 : i32
      %dma_wait3A_341 = arith.constant 160 : i32
      %dma_wait3A_342 = arith.constant 0 : i32
      %dma_wait3A_343 = tpu.memref_slice %arg4[%add3A_340, %dma_wait3A_341, %dma_wait3A_342] : memref<4096x200x128xf32, #tpu.memory_space<hbm>> -> memref<1x40x128xf32, #tpu.memory_space<hbm>>
      %dma_wait3A_344 = tpu.memref_squeeze %dma_wait3A_343 : memref<1x40x128xf32, #tpu.memory_space<hbm>> -> memref<40x128xf32, #tpu.memory_space<hbm>>
      %dma_wait3A_345 = arith.constant 160 : i32
      %dma_wait3A_346 = arith.constant 0 : i32
      %dma_wait3A_347 = tpu.memref_slice %arg4[%add3A_340, %dma_wait3A_345, %dma_wait3A_346] : memref<4096x200x128xf32, #tpu.memory_space<hbm>> -> memref<1x40x128xf32, #tpu.memory_space<hbm>>
      %dma_wait3A_348 = tpu.memref_squeeze %dma_wait3A_347 : memref<1x40x128xf32, #tpu.memory_space<hbm>> -> memref<40x128xf32, #tpu.memory_space<hbm>>
      tpu.wait_dma2 semaphore(%arg21 : memref<!tpu.dma_semaphore, #tpu.memory_space<semaphore_mem>>) src(%arg11 : memref<40x128xf32, #tpu.memory_space<vmem>>) dst(%dma_wait3A_348 : memref<40x128xf32, #tpu.memory_space<hbm>>)
      %add3A_349 = arith.constant 1 : i32
      %add3A_350 = arith.addi %scan3A_160, %add3A_349 : i32
      %mul3A_351 = arith.constant 5 : i32
      %mul3A_352 = arith.muli %add3A_350, %mul3A_351 : i32
      %add3A_353 = arith.constant 4 : i32
      %add3A_354 = arith.addi %mul3A_352, %add3A_353 : i32
      %mul3A_355 = arith.constant 40 : i32
      %mul3A_356 = arith.muli %add3A_354, %mul3A_355 : i32
      %dma_start3A_357 = tpu.memref_slice %arg6[%mul3A_356] : memref<25600xi32, #tpu.memory_space<vmem>> -> memref<40xi32, #tpu.memory_space<vmem>>
      %dma_start3A_358 = arith.constant 0 : i32
      %dma_start3A_359 = arith.constant 0 : i32
      %dma_start3A_360 = tpu.memref_slice %arg5[%dma_start3A_358, %dma_start3A_359] : memref<1000x128xf32, #tpu.memory_space<vmem_shared>> -> memref<1000x128xf32, #tpu.memory_space<vmem_shared>>
      tpu.enqueue_indirect_dma source(%dma_start3A_360 : memref<1000x128xf32, #tpu.memory_space<vmem_shared>>) target(%arg11 : memref<40x128xf32, #tpu.memory_space<vmem>>) offsets(%dma_start3A_357 : memref<40xi32, #tpu.memory_space<vmem>>) semaphore(%arg16 : memref<!tpu.dma_semaphore, #tpu.memory_space<semaphore_mem>>)
    }
    %scan3A_35 = arith.constant 127 : i32
    %dma_wait3A = arith.constant 25400 : i32
    %dma_wait3A_36 = tpu.memref_slice %arg6[%dma_wait3A] : memref<25600xi32, #tpu.memory_space<vmem>> -> memref<40xi32, #tpu.memory_space<vmem>>
    %dma_wait3A_37 = arith.constant 0 : i32
    %dma_wait3A_38 = arith.constant 0 : i32
    %dma_wait3A_39 = tpu.memref_slice %arg5[%dma_wait3A_37, %dma_wait3A_38] : memref<1000x128xf32, #tpu.memory_space<vmem_shared>> -> memref<1000x128xf32, #tpu.memory_space<vmem_shared>>
    tpu.wait_indirect_dma semaphore(%arg12 : memref<!tpu.dma_semaphore, #tpu.memory_space<semaphore_mem>>) src(%dma_wait3A_39 : memref<1000x128xf32, #tpu.memory_space<vmem_shared>>) dst(%arg7 : memref<40x128xf32, #tpu.memory_space<vmem>>)
    %add3A_40 = arith.constant 127 : i32
    %add3A_41 = arith.addi %mul3A_4, %add3A_40 : i32
    %dma_start3A_42 = arith.constant 0 : i32
    %dma_start3A_43 = arith.constant 0 : i32
    %dma_start3A_44 = tpu.memref_slice %arg4[%add3A_41, %dma_start3A_42, %dma_start3A_43] : memref<4096x200x128xf32, #tpu.memory_space<hbm>> -> memref<1x40x128xf32, #tpu.memory_space<hbm>>
    %dma_start3A_45 = tpu.memref_squeeze %dma_start3A_44 : memref<1x40x128xf32, #tpu.memory_space<hbm>> -> memref<40x128xf32, #tpu.memory_space<hbm>>
    %dma_start3A_46 = arith.constant 0 : i32
    %dma_start3A_47 = arith.constant 0 : i32
    %dma_start3A_48 = tpu.memref_slice %arg4[%add3A_41, %dma_start3A_46, %dma_start3A_47] : memref<4096x200x128xf32, #tpu.memory_space<hbm>> -> memref<1x40x128xf32, #tpu.memory_space<hbm>>
    %dma_start3A_49 = tpu.memref_squeeze %dma_start3A_48 : memref<1x40x128xf32, #tpu.memory_space<hbm>> -> memref<40x128xf32, #tpu.memory_space<hbm>>
    tpu.enqueue_dma source(%arg7 : memref<40x128xf32, #tpu.memory_space<vmem>>) target(%dma_start3A_49 : memref<40x128xf32, #tpu.memory_space<hbm>>) target_semaphore(%arg17 : memref<!tpu.dma_semaphore, #tpu.memory_space<semaphore_mem>>)
    %dma_wait3A_50 = arith.constant 25440 : i32
    %dma_wait3A_51 = tpu.memref_slice %arg6[%dma_wait3A_50] : memref<25600xi32, #tpu.memory_space<vmem>> -> memref<40xi32, #tpu.memory_space<vmem>>
    %dma_wait3A_52 = arith.constant 0 : i32
    %dma_wait3A_53 = arith.constant 0 : i32
    %dma_wait3A_54 = tpu.memref_slice %arg5[%dma_wait3A_52, %dma_wait3A_53] : memref<1000x128xf32, #tpu.memory_space<vmem_shared>> -> memref<1000x128xf32, #tpu.memory_space<vmem_shared>>
    tpu.wait_indirect_dma semaphore(%arg13 : memref<!tpu.dma_semaphore, #tpu.memory_space<semaphore_mem>>) src(%dma_wait3A_54 : memref<1000x128xf32, #tpu.memory_space<vmem_shared>>) dst(%arg8 : memref<40x128xf32, #tpu.memory_space<vmem>>)
    %add3A_55 = arith.constant 127 : i32
    %add3A_56 = arith.addi %mul3A_4, %add3A_55 : i32
    %dma_start3A_57 = arith.constant 40 : i32
    %dma_start3A_58 = arith.constant 0 : i32
    %dma_start3A_59 = tpu.memref_slice %arg4[%add3A_56, %dma_start3A_57, %dma_start3A_58] : memref<4096x200x128xf32, #tpu.memory_space<hbm>> -> memref<1x40x128xf32, #tpu.memory_space<hbm>>
    %dma_start3A_60 = tpu.memref_squeeze %dma_start3A_59 : memref<1x40x128xf32, #tpu.memory_space<hbm>> -> memref<40x128xf32, #tpu.memory_space<hbm>>
    %dma_start3A_61 = arith.constant 40 : i32
    %dma_start3A_62 = arith.constant 0 : i32
    %dma_start3A_63 = tpu.memref_slice %arg4[%add3A_56, %dma_start3A_61, %dma_start3A_62] : memref<4096x200x128xf32, #tpu.memory_space<hbm>> -> memref<1x40x128xf32, #tpu.memory_space<hbm>>
    %dma_start3A_64 = tpu.memref_squeeze %dma_start3A_63 : memref<1x40x128xf32, #tpu.memory_space<hbm>> -> memref<40x128xf32, #tpu.memory_space<hbm>>
    tpu.enqueue_dma source(%arg8 : memref<40x128xf32, #tpu.memory_space<vmem>>) target(%dma_start3A_64 : memref<40x128xf32, #tpu.memory_space<hbm>>) target_semaphore(%arg18 : memref<!tpu.dma_semaphore, #tpu.memory_space<semaphore_mem>>)
    %dma_wait3A_65 = arith.constant 25480 : i32
    %dma_wait3A_66 = tpu.memref_slice %arg6[%dma_wait3A_65] : memref<25600xi32, #tpu.memory_space<vmem>> -> memref<40xi32, #tpu.memory_space<vmem>>
    %dma_wait3A_67 = arith.constant 0 : i32
    %dma_wait3A_68 = arith.constant 0 : i32
    %dma_wait3A_69 = tpu.memref_slice %arg5[%dma_wait3A_67, %dma_wait3A_68] : memref<1000x128xf32, #tpu.memory_space<vmem_shared>> -> memref<1000x128xf32, #tpu.memory_space<vmem_shared>>
    tpu.wait_indirect_dma semaphore(%arg14 : memref<!tpu.dma_semaphore, #tpu.memory_space<semaphore_mem>>) src(%dma_wait3A_69 : memref<1000x128xf32, #tpu.memory_space<vmem_shared>>) dst(%arg9 : memref<40x128xf32, #tpu.memory_space<vmem>>)
    %add3A_70 = arith.constant 127 : i32
    %add3A_71 = arith.addi %mul3A_4, %add3A_70 : i32
    %dma_start3A_72 = arith.constant 80 : i32
    %dma_start3A_73 = arith.constant 0 : i32
    %dma_start3A_74 = tpu.memref_slice %arg4[%add3A_71, %dma_start3A_72, %dma_start3A_73] : memref<4096x200x128xf32, #tpu.memory_space<hbm>> -> memref<1x40x128xf32, #tpu.memory_space<hbm>>
    %dma_start3A_75 = tpu.memref_squeeze %dma_start3A_74 : memref<1x40x128xf32, #tpu.memory_space<hbm>> -> memref<40x128xf32, #tpu.memory_space<hbm>>
    %dma_start3A_76 = arith.constant 80 : i32
    %dma_start3A_77 = arith.constant 0 : i32
    %dma_start3A_78 = tpu.memref_slice %arg4[%add3A_71, %dma_start3A_76, %dma_start3A_77] : memref<4096x200x128xf32, #tpu.memory_space<hbm>> -> memref<1x40x128xf32, #tpu.memory_space<hbm>>
    %dma_start3A_79 = tpu.memref_squeeze %dma_start3A_78 : memref<1x40x128xf32, #tpu.memory_space<hbm>> -> memref<40x128xf32, #tpu.memory_space<hbm>>
    tpu.enqueue_dma source(%arg9 : memref<40x128xf32, #tpu.memory_space<vmem>>) target(%dma_start3A_79 : memref<40x128xf32, #tpu.memory_space<hbm>>) target_semaphore(%arg19 : memref<!tpu.dma_semaphore, #tpu.memory_space<semaphore_mem>>)
    %dma_wait3A_80 = arith.constant 25520 : i32
    %dma_wait3A_81 = tpu.memref_slice %arg6[%dma_wait3A_80] : memref<25600xi32, #tpu.memory_space<vmem>> -> memref<40xi32, #tpu.memory_space<vmem>>
    %dma_wait3A_82 = arith.constant 0 : i32
    %dma_wait3A_83 = arith.constant 0 : i32
    %dma_wait3A_84 = tpu.memref_slice %arg5[%dma_wait3A_82, %dma_wait3A_83] : memref<1000x128xf32, #tpu.memory_space<vmem_shared>> -> memref<1000x128xf32, #tpu.memory_space<vmem_shared>>
    tpu.wait_indirect_dma semaphore(%arg15 : memref<!tpu.dma_semaphore, #tpu.memory_space<semaphore_mem>>) src(%dma_wait3A_84 : memref<1000x128xf32, #tpu.memory_space<vmem_shared>>) dst(%arg10 : memref<40x128xf32, #tpu.memory_space<vmem>>)
    %add3A_85 = arith.constant 127 : i32
    %add3A_86 = arith.addi %mul3A_4, %add3A_85 : i32
    %dma_start3A_87 = arith.constant 120 : i32
    %dma_start3A_88 = arith.constant 0 : i32
    %dma_start3A_89 = tpu.memref_slice %arg4[%add3A_86, %dma_start3A_87, %dma_start3A_88] : memref<4096x200x128xf32, #tpu.memory_space<hbm>> -> memref<1x40x128xf32, #tpu.memory_space<hbm>>
    %dma_start3A_90 = tpu.memref_squeeze %dma_start3A_89 : memref<1x40x128xf32, #tpu.memory_space<hbm>> -> memref<40x128xf32, #tpu.memory_space<hbm>>
    %dma_start3A_91 = arith.constant 120 : i32
    %dma_start3A_92 = arith.constant 0 : i32
    %dma_start3A_93 = tpu.memref_slice %arg4[%add3A_86, %dma_start3A_91, %dma_start3A_92] : memref<4096x200x128xf32, #tpu.memory_space<hbm>> -> memref<1x40x128xf32, #tpu.memory_space<hbm>>
    %dma_start3A_94 = tpu.memref_squeeze %dma_start3A_93 : memref<1x40x128xf32, #tpu.memory_space<hbm>> -> memref<40x128xf32, #tpu.memory_space<hbm>>
    tpu.enqueue_dma source(%arg10 : memref<40x128xf32, #tpu.memory_space<vmem>>) target(%dma_start3A_94 : memref<40x128xf32, #tpu.memory_space<hbm>>) target_semaphore(%arg20 : memref<!tpu.dma_semaphore, #tpu.memory_space<semaphore_mem>>)
    %dma_wait3A_95 = arith.constant 25560 : i32
    %dma_wait3A_96 = tpu.memref_slice %arg6[%dma_wait3A_95] : memref<25600xi32, #tpu.memory_space<vmem>> -> memref<40xi32, #tpu.memory_space<vmem>>
    %dma_wait3A_97 = arith.constant 0 : i32
    %dma_wait3A_98 = arith.constant 0 : i32
    %dma_wait3A_99 = tpu.memref_slice %arg5[%dma_wait3A_97, %dma_wait3A_98] : memref<1000x128xf32, #tpu.memory_space<vmem_shared>> -> memref<1000x128xf32, #tpu.memory_space<vmem_shared>>
    tpu.wait_indirect_dma semaphore(%arg16 : memref<!tpu.dma_semaphore, #tpu.memory_space<semaphore_mem>>) src(%dma_wait3A_99 : memref<1000x128xf32, #tpu.memory_space<vmem_shared>>) dst(%arg11 : memref<40x128xf32, #tpu.memory_space<vmem>>)
    %add3A_100 = arith.constant 127 : i32
    %add3A_101 = arith.addi %mul3A_4, %add3A_100 : i32
    %dma_start3A_102 = arith.constant 160 : i32
    %dma_start3A_103 = arith.constant 0 : i32
    %dma_start3A_104 = tpu.memref_slice %arg4[%add3A_101, %dma_start3A_102, %dma_start3A_103] : memref<4096x200x128xf32, #tpu.memory_space<hbm>> -> memref<1x40x128xf32, #tpu.memory_space<hbm>>
    %dma_start3A_105 = tpu.memref_squeeze %dma_start3A_104 : memref<1x40x128xf32, #tpu.memory_space<hbm>> -> memref<40x128xf32, #tpu.memory_space<hbm>>
    %dma_start3A_106 = arith.constant 160 : i32
    %dma_start3A_107 = arith.constant 0 : i32
    %dma_start3A_108 = tpu.memref_slice %arg4[%add3A_101, %dma_start3A_106, %dma_start3A_107] : memref<4096x200x128xf32, #tpu.memory_space<hbm>> -> memref<1x40x128xf32, #tpu.memory_space<hbm>>
    %dma_start3A_109 = tpu.memref_squeeze %dma_start3A_108 : memref<1x40x128xf32, #tpu.memory_space<hbm>> -> memref<40x128xf32, #tpu.memory_space<hbm>>
    tpu.enqueue_dma source(%arg11 : memref<40x128xf32, #tpu.memory_space<vmem>>) target(%dma_start3A_109 : memref<40x128xf32, #tpu.memory_space<hbm>>) target_semaphore(%arg21 : memref<!tpu.dma_semaphore, #tpu.memory_space<semaphore_mem>>)
    %add3A_110 = arith.constant 127 : i32
    %add3A_111 = arith.addi %mul3A_4, %add3A_110 : i32
    %dma_wait3A_112 = arith.constant 0 : i32
    %dma_wait3A_113 = arith.constant 0 : i32
    %dma_wait3A_114 = tpu.memref_slice %arg4[%add3A_111, %dma_wait3A_112, %dma_wait3A_113] : memref<4096x200x128xf32, #tpu.memory_space<hbm>> -> memref<1x40x128xf32, #tpu.memory_space<hbm>>
    %dma_wait3A_115 = tpu.memref_squeeze %dma_wait3A_114 : memref<1x40x128xf32, #tpu.memory_space<hbm>> -> memref<40x128xf32, #tpu.memory_space<hbm>>
    %dma_wait3A_116 = arith.constant 0 : i32
    %dma_wait3A_117 = arith.constant 0 : i32
    %dma_wait3A_118 = tpu.memref_slice %arg4[%add3A_111, %dma_wait3A_116, %dma_wait3A_117] : memref<4096x200x128xf32, #tpu.memory_space<hbm>> -> memref<1x40x128xf32, #tpu.memory_space<hbm>>
    %dma_wait3A_119 = tpu.memref_squeeze %dma_wait3A_118 : memref<1x40x128xf32, #tpu.memory_space<hbm>> -> memref<40x128xf32, #tpu.memory_space<hbm>>
    tpu.wait_dma2 semaphore(%arg17 : memref<!tpu.dma_semaphore, #tpu.memory_space<semaphore_mem>>) src(%arg7 : memref<40x128xf32, #tpu.memory_space<vmem>>) dst(%dma_wait3A_119 : memref<40x128xf32, #tpu.memory_space<hbm>>)
    %add3A_120 = arith.constant 127 : i32
    %add3A_121 = arith.addi %mul3A_4, %add3A_120 : i32
    %dma_wait3A_122 = arith.constant 40 : i32
    %dma_wait3A_123 = arith.constant 0 : i32
    %dma_wait3A_124 = tpu.memref_slice %arg4[%add3A_121, %dma_wait3A_122, %dma_wait3A_123] : memref<4096x200x128xf32, #tpu.memory_space<hbm>> -> memref<1x40x128xf32, #tpu.memory_space<hbm>>
    %dma_wait3A_125 = tpu.memref_squeeze %dma_wait3A_124 : memref<1x40x128xf32, #tpu.memory_space<hbm>> -> memref<40x128xf32, #tpu.memory_space<hbm>>
    %dma_wait3A_126 = arith.constant 40 : i32
    %dma_wait3A_127 = arith.constant 0 : i32
    %dma_wait3A_128 = tpu.memref_slice %arg4[%add3A_121, %dma_wait3A_126, %dma_wait3A_127] : memref<4096x200x128xf32, #tpu.memory_space<hbm>> -> memref<1x40x128xf32, #tpu.memory_space<hbm>>
    %dma_wait3A_129 = tpu.memref_squeeze %dma_wait3A_128 : memref<1x40x128xf32, #tpu.memory_space<hbm>> -> memref<40x128xf32, #tpu.memory_space<hbm>>
    tpu.wait_dma2 semaphore(%arg18 : memref<!tpu.dma_semaphore, #tpu.memory_space<semaphore_mem>>) src(%arg8 : memref<40x128xf32, #tpu.memory_space<vmem>>) dst(%dma_wait3A_129 : memref<40x128xf32, #tpu.memory_space<hbm>>)
    %add3A_130 = arith.constant 127 : i32
    %add3A_131 = arith.addi %mul3A_4, %add3A_130 : i32
    %dma_wait3A_132 = arith.constant 80 : i32
    %dma_wait3A_133 = arith.constant 0 : i32
    %dma_wait3A_134 = tpu.memref_slice %arg4[%add3A_131, %dma_wait3A_132, %dma_wait3A_133] : memref<4096x200x128xf32, #tpu.memory_space<hbm>> -> memref<1x40x128xf32, #tpu.memory_space<hbm>>
    %dma_wait3A_135 = tpu.memref_squeeze %dma_wait3A_134 : memref<1x40x128xf32, #tpu.memory_space<hbm>> -> memref<40x128xf32, #tpu.memory_space<hbm>>
    %dma_wait3A_136 = arith.constant 80 : i32
    %dma_wait3A_137 = arith.constant 0 : i32
    %dma_wait3A_138 = tpu.memref_slice %arg4[%add3A_131, %dma_wait3A_136, %dma_wait3A_137] : memref<4096x200x128xf32, #tpu.memory_space<hbm>> -> memref<1x40x128xf32, #tpu.memory_space<hbm>>
    %dma_wait3A_139 = tpu.memref_squeeze %dma_wait3A_138 : memref<1x40x128xf32, #tpu.memory_space<hbm>> -> memref<40x128xf32, #tpu.memory_space<hbm>>
    tpu.wait_dma2 semaphore(%arg19 : memref<!tpu.dma_semaphore, #tpu.memory_space<semaphore_mem>>) src(%arg9 : memref<40x128xf32, #tpu.memory_space<vmem>>) dst(%dma_wait3A_139 : memref<40x128xf32, #tpu.memory_space<hbm>>)
    %add3A_140 = arith.constant 127 : i32
    %add3A_141 = arith.addi %mul3A_4, %add3A_140 : i32
    %dma_wait3A_142 = arith.constant 120 : i32
    %dma_wait3A_143 = arith.constant 0 : i32
    %dma_wait3A_144 = tpu.memref_slice %arg4[%add3A_141, %dma_wait3A_142, %dma_wait3A_143] : memref<4096x200x128xf32, #tpu.memory_space<hbm>> -> memref<1x40x128xf32, #tpu.memory_space<hbm>>
    %dma_wait3A_145 = tpu.memref_squeeze %dma_wait3A_144 : memref<1x40x128xf32, #tpu.memory_space<hbm>> -> memref<40x128xf32, #tpu.memory_space<hbm>>
    %dma_wait3A_146 = arith.constant 120 : i32
    %dma_wait3A_147 = arith.constant 0 : i32
    %dma_wait3A_148 = tpu.memref_slice %arg4[%add3A_141, %dma_wait3A_146, %dma_wait3A_147] : memref<4096x200x128xf32, #tpu.memory_space<hbm>> -> memref<1x40x128xf32, #tpu.memory_space<hbm>>
    %dma_wait3A_149 = tpu.memref_squeeze %dma_wait3A_148 : memref<1x40x128xf32, #tpu.memory_space<hbm>> -> memref<40x128xf32, #tpu.memory_space<hbm>>
    tpu.wait_dma2 semaphore(%arg20 : memref<!tpu.dma_semaphore, #tpu.memory_space<semaphore_mem>>) src(%arg10 : memref<40x128xf32, #tpu.memory_space<vmem>>) dst(%dma_wait3A_149 : memref<40x128xf32, #tpu.memory_space<hbm>>)
    %add3A_150 = arith.constant 127 : i32
    %add3A_151 = arith.addi %mul3A_4, %add3A_150 : i32
    %dma_wait3A_152 = arith.constant 160 : i32
    %dma_wait3A_153 = arith.constant 0 : i32
    %dma_wait3A_154 = tpu.memref_slice %arg4[%add3A_151, %dma_wait3A_152, %dma_wait3A_153] : memref<4096x200x128xf32, #tpu.memory_space<hbm>> -> memref<1x40x128xf32, #tpu.memory_space<hbm>>
    %dma_wait3A_155 = tpu.memref_squeeze %dma_wait3A_154 : memref<1x40x128xf32, #tpu.memory_space<hbm>> -> memref<40x128xf32, #tpu.memory_space<hbm>>
    %dma_wait3A_156 = arith.constant 160 : i32
    %dma_wait3A_157 = arith.constant 0 : i32
    %dma_wait3A_158 = tpu.memref_slice %arg4[%add3A_151, %dma_wait3A_156, %dma_wait3A_157] : memref<4096x200x128xf32, #tpu.memory_space<hbm>> -> memref<1x40x128xf32, #tpu.memory_space<hbm>>
    %dma_wait3A_159 = tpu.memref_squeeze %dma_wait3A_158 : memref<1x40x128xf32, #tpu.memory_space<hbm>> -> memref<40x128xf32, #tpu.memory_space<hbm>>
    tpu.wait_dma2 semaphore(%arg21 : memref<!tpu.dma_semaphore, #tpu.memory_space<semaphore_mem>>) src(%arg11 : memref<40x128xf32, #tpu.memory_space<vmem>>) dst(%dma_wait3A_159 : memref<40x128xf32, #tpu.memory_space<hbm>>)
    return
  }
}

module attributes {stable_mosaic.version = 14 : i64} {
  func.func @_m_body(%arg0: memref<1000x128xf32, #tpu.memory_space<vmem>>, %arg1: memref<1000x128xf32, #tpu.memory_space<vmem>>, %arg2: memref<1000x1000xbf16, #tpu.memory_space<vmem>>) attributes {dimension_semantics = [], scalar_prefetch = 0 : i64, scratch_operands = 0 : i64, tpu.core_type = #tpu.core_type<tc>} {
    %get3A = arith.constant 0 : index
    %get3A_0 = arith.constant 0 : index
    %get3A_1 = vector.load %arg0[%get3A, %get3A_0] : memref<1000x128xf32, #tpu.memory_space<vmem>>, vector<1000x128xf32>
    %get3A_2 = arith.constant 0 : index
    %get3A_3 = arith.constant 0 : index
    %get3A_4 = vector.load %arg1[%get3A_2, %get3A_3] : memref<1000x128xf32, #tpu.memory_space<vmem>>, vector<1000x128xf32>
    %dot_general3A = arith.constant dense<0.000000e+00> : vector<1000x1000xf32>
    %dot_general3A_5 = tpu.matmul %get3A_1, %get3A_4, %dot_general3A {dimension_numbers = #tpu.dot_dimension_numbers<[1], [1], [0], [0], [0, 0, 1, 0], [], []>, transpose_lhs_hint = false} : vector<1000x128xf32>, vector<1000x128xf32>, vector<1000x1000xf32> -> vector<1000x1000xf32>
    %convert_element_type3A = arith.truncf %dot_general3A_5 : vector<1000x1000xf32> to vector<1000x1000xbf16>
    %swap3A = arith.constant 0 : index
    %swap3A_6 = arith.constant 0 : index
    %swap3A_7 = vector.load %arg2[%swap3A, %swap3A_6] : memref<1000x1000xbf16, #tpu.memory_space<vmem>>, vector<1000x1000xbf16>
    tpu.vector_store %arg2[%swap3A, %swap3A_6], %convert_element_type3A {strides = array<i32>} : memref<1000x1000xbf16, #tpu.memory_space<vmem>>, vector<1000x1000xbf16>,
    return
  }
}

module attributes {stable_mosaic.version = 14 : i64} {
  func.func @_logits_body(%arg0: i32, %arg1: memref<1x1x200xi32, #tpu.memory_space<vmem>>, %arg2: memref<1000x1000xbf16, #tpu.memory_space<vmem>>, %arg3: memref<1x1000xf32, #tpu.memory_space<vmem>>, %arg4: memref<1x200x1000xf32, #tpu.memory_space<vmem>>) attributes {dimension_semantics = [#tpu.dimension_semantics<arbitrary>], iteration_bounds = array<i64: 4096>, scalar_prefetch = 0 : i64, scratch_operands = 0 : i64, tpu.core_type = #tpu.core_type<tc>, window_params = [{transform_indices = @transform_0, window_bounds = array<i64: 1, 1, 200>}, {pipeline_mode = #tpu.pipeline_mode<synchronous>, transform_indices = @transform_1, window_bounds = array<i64: 1000, 1000>}, {pipeline_mode = #tpu.pipeline_mode<synchronous>, transform_indices = @transform_2, window_bounds = array<i64: 1, 1000>}, {transform_indices = @transform_3, window_bounds = array<i64: 1, 200, 1000>}]} {
    %get3A = arith.constant 0 : index
    %get3A_0 = arith.constant 0 : index
    %get3A_1 = arith.constant 0 : index
    %get3A_2 = vector.load %arg1[%get3A, %get3A_0, %get3A_1] : memref<1x1x200xi32, #tpu.memory_space<vmem>>, vector<1x1x200xi32>
    %get3A_3 = vector.shape_cast %get3A_2 : vector<1x1x200xi32> to vector<1x200xi32>
    %iota3A = tpu.iota {dimensions = array<i32: 0>} : vector<1000x200xi32>
    %eq3A = vector.broadcast %get3A_3 : vector<1x200xi32> to vector<1000x200xi32>
    %eq3A_4 = arith.cmpi eq, %iota3A, %eq3A : vector<1000x200xi32>
    %convert_element_type3A = arith.extui %eq3A_4 : vector<1000x200xi1> to vector<1000x200xi32>
    %convert_element_type3A_5 = arith.sitofp %convert_element_type3A : vector<1000x200xi32> to vector<1000x200xf32>
    %convert_element_type3A_6 = arith.truncf %convert_element_type3A_5 : vector<1000x200xf32> to vector<1000x200xbf16>
    %get3A_7 = arith.constant 0 : index
    %get3A_8 = arith.constant 0 : index
    %get3A_9 = vector.load %arg2[%get3A_7, %get3A_8] : memref<1000x1000xbf16, #tpu.memory_space<vmem>>, vector<1000x1000xbf16>
    %dot_general3A = arith.constant dense<0.000000e+00> : vector<200x1000xf32>
    %dot_general3A_10 = tpu.matmul %convert_element_type3A_6, %get3A_9, %dot_general3A {dimension_numbers = #tpu.dot_dimension_numbers<[0], [0], [1], [1], [0, 1, 1, 1], [], []>, transpose_lhs_hint = false} : vector<1000x200xbf16>, vector<1000x1000xbf16>, vector<200x1000xf32> -> vector<200x1000xf32>
    %get3A_11 = arith.constant 0 : index
    %get3A_12 = arith.constant 0 : index
    %get3A_13 = vector.load %arg3[%get3A_11, %get3A_12] : memref<1x1000xf32, #tpu.memory_space<vmem>>, vector<1x1000xf32>
    %add3A = vector.broadcast %get3A_13 : vector<1x1000xf32> to vector<200x1000xf32>
    %add3A_14 = arith.addf %dot_general3A_10, %add3A : vector<200x1000xf32>
    %swap3A = arith.constant 0 : index
    %swap3A_15 = arith.constant 0 : index
    %swap3A_16 = arith.constant 0 : index
    %swap3A_17 = vector.load %arg4[%swap3A, %swap3A_15, %swap3A_16] : memref<1x200x1000xf32, #tpu.memory_space<vmem>>, vector<1x200x1000xf32>
    %swap3A_18 = vector.shape_cast %swap3A_17 : vector<1x200x1000xf32> to vector<200x1000xf32>
    %swap3A_19 = vector.shape_cast %add3A_14 : vector<200x1000xf32> to vector<1x200x1000xf32>
    tpu.vector_store %arg4[%swap3A, %swap3A_15, %swap3A_16], %swap3A_19 {strides = array<i32>} : memref<1x200x1000xf32, #tpu.memory_space<vmem>>, vector<1x200x1000xf32>,
    return
  }
  func.func @transform_0(%arg0: i32) -> (i32, i32, i32) {
    %c0_i32 = arith.constant 0 : i32
    %c0_i32_0 = arith.constant 0 : i32
    %c0_i32_1 = arith.constant 0 : i32
    return %arg0, %c0_i32, %c0_i32_0 : i32, i32, i32
  }
  func.func @transform_1(%arg0: i32) -> (i32, i32) {
    %c0_i32 = arith.constant 0 : i32
    %c0_i32_0 = arith.constant 0 : i32
    %c0_i32_1 = arith.constant 0 : i32
    return %c0_i32, %c0_i32_0 : i32, i32
  }
  func.func @transform_2(%arg0: i32) -> (i32, i32) {
    %c0_i32 = arith.constant 0 : i32
    %c0_i32_0 = arith.constant 0 : i32
    %c0_i32_1 = arith.constant 0 : i32
    return %c0_i32, %c0_i32_0 : i32, i32
  }
  func.func @transform_3(%arg0: i32) -> (i32, i32, i32) {
    %c0_i32 = arith.constant 0 : i32
    %c0_i32_0 = arith.constant 0 : i32
    %c0_i32_1 = arith.constant 0 : i32
    return %arg0, %c0_i32, %c0_i32_0 : i32, i32, i32
  }
}

</mosaic_0001>

<sc_bundles>
// kernel: kernel.5.cloned.1.call-start
scs
__scs_entry_jumppad:
0x0: {  	(pc) =	sbr.rel $0x88, $3  }
0x1: {  	(tag) =	ssettag $0x0;
	lr =	simm.s32 $0x1  }
0x2: {  	[smem:$0x3F9D] =	sst lr;
	_ =	strace $0xD0000000  }
0x3: {  	_ = 	snop  }
0x4: {  	_ = 	snop  }
0x5: {  	_ = 	snop  }
0x6: {  	_ = 	snop  }
0x7: {  	_ = 	snop  }
__scs_overlays_trampoline_lowered:
0x8: {  	[smem:$0x3FAC] =	sst s0  }
0x9: {  	[smem:$0x3FAD] =	sst s1  }
0xa: {  	[smem:$0x3FAE] =	sst s2  }
0xb: {  	[smem:$0x3FAF] =	sst s3  }
0xc: {  	[smem:$0x3FB0] =	sst s4  }
0xd: {  	[smem:$0x3FB1] =	sst s5  }
0xe: {  	[smem:$0x3FB2] =	sst s6  }
0xf: {  	[smem:$0x3FB3] =	sst s7  }
0x10: {  	[smem:$0x3FB4] =	sst s8  }
0x11: {  	[smem:$0x3FB5] =	sst s9;
	s0 =	simm.s32 @!p0 $0x0  }
0x12: {  	s1 =	sld [smem:$0x3F9B];
	s0 =	simm.s32 @p0 $0x1  }
0x13: {  	[smem:$0x3FB6] =	sst s0;
	s0 =	simm.s32 @!p1 $0x0  }
0x14: {  	s2 =	sld [smem:$0x3F9A];
	s0 =	simm.s32 @p1 $0x1  }
0x15: {  	[smem:$0x3FB7] =	sst s0;
	s0 =	simm.s32 @!p2 $0x0  }
0x16: {  	s3 =	sld [smem:$0x3FDB];
	s0 =	simm.s32 @p2 $0x1  }
0x17: {  	s4 =	simm.s32 $0x1BF5;
	[smem:$0x3FB9] =	sst s0  }
0x18: {  	s0 =	sld [smem:$0x3F9C];
	_ =	swait.ge [sflag:s4], $0x0  }
0x19: {  	s7 =	sld [smem:$0x3F9D]  }
0x1a: {  	s8 =	sadd.s32 $0xFFFFE003, lr  }
0x1b: {  	s9 =	sadd.s32 $0xFFFFFEF7, lr;
	s5 =	simm.s32 $0xFFFFFFFF;
	p2 =	slt.u32 s8, $0xFFFFF086  }
0x1c: {  	p1 =	slt.u32 s9, $0xF7A;
	s5 =	simm.s32 @!p2 $0x0  }
0x1d: {  	s5 =	simm.s32 @p1 $0x1;
	p0 =	seq.s32 s7, s2  }
0x1e: {  	s7 =	smul.u32 @!p0 $0xF7A, s2;
	p2 =	seq.s32 @!p0 s5, $0x0  }
0x1f: {  	s9 =	smul.u32 $0xF7A, s1;
	s8 =	simm.s32 @!p0 $0x1BF5;
	p2 =	por !p2, p0  }
0x20: {  	[sflag:s8] =	ssyncset.s32 @!p0 $0xFFFFF086;
	s6 =	sadd.s32 @!p0 s3, s7;
	s7 =	simm.s32 @!p0 $0x108  }
0x21: {  	s3 =	sadd.s32 s3, s9;
	s6 =	sadd.s32 @!p0 $0x88, s6;
	s7 =	simm.s32 @p2 $0x1082  }
0x22: {  	[simem:s7], [sflag:s8] =	dma.local @!p0 [hbm:s6], $0xF7A  }
0x23: {  	s9 =	sor.u32 $0xD0000000, s2;
	s6 =	simm.s32 $0x108;
	_ =	swait.ge @!p0 [sflag:s8], $0x0  }
0x24: {  	s3 =	sadd.s32 $0x88, s3;
	s6 =	simm.s32 @!p1 $0x1082;
	[sflag:s4] =	ssyncset.s32 $0xFFFFF086  }
0x25: {  	[simem:s6], [sflag:s4] =	dma.local [hbm:s3], $0xF7A  }
0x26: {  	[smem:$0x3F9D] =	sst s1;
	(tag) =	ssettag s2;
	_ =	strace s9  }
0x27: {  	s1 =	sld [smem:$0x3FAD]  }
0x28: {  	s2 =	sld [smem:$0x3FAE]  }
0x29: {  	s4 =	sld [smem:$0x3FB0]  }
0x2a: {  	p0 =	seq.s32 s5, $0x0;
	s5 =	sld [smem:$0x3FB1]  }
0x2b: {  	s6 =	sld [smem:$0x3FB2]  }
0x2c: {  	s7 =	sld [smem:$0x3FB3]  }
0x2d: {  	s3 =	simm.s32 $0x108;
	s8 =	sld [smem:$0x3FB4]  }
0x2e: {  	s3 =	simm.s32 @!p0 $0x1082;
	s9 =	sld [smem:$0x3FB5]  }
0x2f: {  	lr =	sadd.s32 s0, s3;
	s0 =	sld [smem:$0x3FAC]  }
0x30: {  	s3 =	sld [smem:$0x3FAF]  }
0x31: {  	[smem:$0x3FB8] =	sst s10  }
0x32: {  	s10 =	sld [smem:$0x3FB6];
	_ =	sdelay $0x3  }
0x33: {  	p0 =	seq.s32 s10, $0x1;
	s10 =	sld [smem:$0x3FB8];
	_ =	sdelay $0x3  }
0x34: {  	[smem:$0x3FB8] =	sst s10  }
0x35: {  	s10 =	sld [smem:$0x3FB7];
	_ =	sdelay $0x3  }
0x36: {  	p1 =	seq.s32 s10, $0x1;
	s10 =	sld [smem:$0x3FB8];
	_ =	sdelay $0x3  }
0x37: {  	[smem:$0x3FB8] =	sst s10  }
0x38: {  	s10 =	sld [smem:$0x3FB9]  }
0x39: {  	_ = 	snop;
	(pc) =	sbr.ind lr, $3  }
0x3a: {  	_ = 	snop  }
0x3b: {  	_ = 	snop  }
0x3c: {  	p2 =	seq.s32 s10, $0x1;
	s10 =	sld [smem:$0x3FB8]  }
0x3d: {  	_ =	shalt  }
0x3e: {  	_ =	shalt  }
0x3f: {  	_ =	shalt  }
0x40: {  	_ =	shalt  }
0x41: {  	_ =	shalt  }
0x42: {  	_ =	shalt  }
0x43: {  	_ =	shalt  }
0x44: {  	_ =	shalt  }
0x45: {  	_ =	shalt  }
0x46: {  	_ =	shalt  }
0x47: {  	_ =	shalt  }
0x48: {  	_ =	shalt  }
0x49: {  	_ =	shalt  }
0x4a: {  	_ =	shalt  }
0x4b: {  	_ =	shalt  }
0x4c: {  	_ =	shalt  }
0x4d: {  	_ =	shalt  }
0x4e: {  	_ =	shalt  }
0x4f: {  	_ =	shalt  }
0x50: {  	_ =	shalt  }
0x51: {  	_ =	shalt  }
0x52: {  	_ =	shalt  }
0x53: {  	_ =	shalt  }
0x54: {  	_ =	shalt  }
0x55: {  	_ =	shalt  }
0x56: {  	_ =	shalt  }
0x57: {  	_ =	shalt  }
0x58: {  	_ =	shalt  }
0x59: {  	_ =	shalt  }
0x5a: {  	_ =	shalt  }
0x5b: {  	_ =	shalt  }
0x5c: {  	_ =	shalt  }
0x5d: {  	_ =	shalt  }
0x5e: {  	_ =	shalt  }
0x5f: {  	_ =	shalt  }
0x60: {  	_ =	shalt  }
0x61: {  	_ =	shalt  }
0x62: {  	_ =	shalt  }
0x63: {  	_ =	shalt  }
0x64: {  	_ =	shalt  }
0x65: {  	_ =	shalt  }
0x66: {  	_ =	shalt  }
0x67: {  	_ =	shalt  }
0x68: {  	_ =	shalt  }
0x69: {  	_ =	shalt  }
0x6a: {  	_ =	shalt  }
0x6b: {  	_ =	shalt  }
0x6c: {  	_ =	shalt  }
0x6d: {  	_ =	shalt  }
0x6e: {  	_ =	shalt  }
0x6f: {  	_ =	shalt  }
0x70: {  	_ =	shalt  }
0x71: {  	_ =	shalt  }
0x72: {  	_ =	shalt  }
0x73: {  	_ =	shalt  }
0x74: {  	_ =	shalt  }
0x75: {  	_ =	shalt  }
0x76: {  	_ =	shalt  }
0x77: {  	_ =	shalt  }
0x78: {  	_ =	shalt  }
0x79: {  	_ =	shalt  }
0x7a: {  	_ =	shalt  }
0x7b: {  	_ =	shalt  }
0x7c: {  	_ =	shalt  }
0x7d: {  	_ =	shalt  }
0x7e: {  	_ =	shalt  }
0x7f: {  	_ =	shalt  }
0x80: {  	_ =	shalt  }
0x81: {  	_ =	shalt  }
0x82: {  	_ =	shalt  }
0x83: {  	_ =	shalt  }
0x84: {  	_ =	shalt  }
0x85: {  	_ =	shalt  }
0x86: {  	_ =	shalt  }
0x87: {  	_ =	shalt  }
.Lfunc_end0:
.L_simem_size_0:
called_computation_lowered:
.L_overlay_start_0:
0x88: {  	s2 =	sld [smem:$0x3FD9]  }
0x89: {  	s3 =	sld [smem:$0x3FFE];
	_ =	sdelay $0x1  }
0x8a: {  	s1 =	srdreg.scid  }
0x8b: {  	s0 =	sand.u32 $0x1, s1  }
0x8c: {  	s14 =	sshll.u32 s0, $0xA;
	s2 =	sadd.s32 s3, s2  }
0x8d: {  	s2 =	sadd.s32 s2, s14  }
0x8e: {  	[smem:$0x3FC4] =	sst s2  }
0x8f: {  	_ = 	snop  }
0x90: {  	s2 =	sld [smem:$0x3FD0];
	_ =	sdelay $0x2  }
0x91: {  	s4 =	simm.s32 $0xA;
	s5 =	simm.s32 $0x10;
	s15 =	sld [smem:$0x3FC8]  }
0x92: {  	[smem:s5], [sflag:s4] =	dma.local [hbm:s2], $0x1  }
0x93: {  	_ =	swait.eq [sflag:s4], $0x1  }
0x94: {  	[sflag:s4] =	ssyncset.done $0x0  }
0x95: {  	[sflag:s4] =	ssyncadd.s32 $0xFFFFFFFF  }
0x96: {  	s16 =	sld [smem:$0x11];
	(tm) =	ssettm $0x1  }
0x97: {  	s17 =	sld [smem:$0x3FFB];
	_ =	sdelay $0x3  }
0x98: {  	_ =	strace s17  }
0x99: {  	s4 =	sld [smem:$0x3FFC];
	_ =	sdelay $0x3  }
0x9a: {  	_ =	strace s4  }
0x9b: {  	s4 =	sld [smem:$0x3FFD];
	_ =	sdelay $0x3  }
0x9c: {  	_ =	strace s4  }
0x9d: {  	_ =	strace $0x8FFFFFFF  }
0x9e: {  	s18 =	sld [smem:$0x3FDB];
	_ =	sdelay $0x1  }
0x9f: {  	s19 =	simm.s32 $_scs_section_size  }
0xa0: {  	s6 =	simm.s32 $_size__tile_overlayer_lowered;
	s7 =	simm.s32 $_tile_overlayer_lowered  }
0xa1: {  	s22 =	simm.s32 $0x1BFF;
	s21 =	sshll.u32 s7, $0x1;
	s4 =	sadd.s32 s19, s18  }
0xa2: {  	s8 =	simm.s32 $0x0;
	s20 =	sshll.u32 s6, $0x1;
	s6 =	sadd.s32 s21, s4  }
0xa3: {  	[timem:s8], [sflag:s22] =	dma.local [hbm:s6], s20  }
0xa4: {  	_ =	swait.ge [sflag:s22], s20  }
0xa5: {  	s5 =	ssub.s32 $0x0, s20;
	[sflag:s22] =	ssyncset.done $0x0  }
0xa6: {  	[sflag:s22] =	ssyncadd.s32 s5;
	_ =	sdelay $0x1  }
0xa7: {  	s23 =	simm.s32 $0x1B8B  }
0xa8: {  	_ =	swait.ge [sflag:s23], $0x1  }
0xa9: {  	[sflag:s23] =	ssyncset.done $0x0  }
0xaa: {  	s25 =	simm.s32 $0x1B8E;
	s24 =	sld [smem:$0x3FFE];
	[sflag:s23] =	ssyncadd.s32 $0xFFFFFFFF  }
0xab: {  	s26 =	simm.s32 $execute0_lowered;
	[smem:$0x3FD2] =	sst s25  }
0xac: {  	s6 =	sshll.u32 s26, $0x1;
	_ =	strace $0x80000046;
	[dreg:$0x1] =	wrdreg $0xFFFFFFFF  }
0xad: {  	s28 =	simm.s32 $_size_execute0_lowered;
	s4 =	sadd.s32 s4, s6;
	[dreg:$0x0] =	wrdreg $0x0  }
0xae: {  	s6 =	sshll.u32 s28, $0x1;
	[dreg:$0x2] =	wrdreg s4  }
0xaf: {  	[dreg:$0x3] =	wrdreg s6  }
0xb0: {  	[dreg:$0x4] =	wrdreg $0xC0  }
0xb1: {  	_ =	task [dreg:s8], $0x5FFFF  }
0xb2: {  	[dreg:$0x1] =	wrdreg $0xFFFFFFFF  }
0xb3: {  	[dreg:$0x0] =	wrdreg $0x60  }
0xb4: {  	[dreg:$0x2] =	wrdreg s15  }
0xb5: {  	[dreg:$0x3] =	wrdreg s24  }
0xb6: {  	[dreg:$0x4] =	wrdreg s16  }
0xb7: {  	[dreg:$0x5] =	wrdreg $0x0  }
0xb8: {  	[dreg:$0x6] =	wrdreg $0x9  }
0xb9: {  	_ =	task.clear_ibuf [dreg:s8], $0x7FFFF;
	_ =	strace $0x90000046  }
0xba: {  	s29 =	simm.s32 $0x9;
	_ =	strace $0x80000048  }
0xbb: {  	_ =	swait.ge [sflag:s29], $0x1  }
0xbc: {  	[sflag:s29] =	ssyncadd.s32 $0xFFFFFFFF  }
0xbd: {  	_ =	strace $0x90000048  }
0xbe: {  	_ =	sfence  }
0xbf: {  	s30 =	sld [smem:$0x0];
	_ =	sdelay $0x2  }
0xc0: {  	s31 =	sshll.u32 s1, $0xD;
	s1 =	sshrl.u32 s1, $0x2  }
0xc1: {  	s3 =	sand.u32 $0x4000, s31;
	s1 =	sadd.s32 s1, s30  }
0xc2: {  	s0 =	sor.u32 s3, s0;
	s1 =	sshll.u32 s1, $0x11  }
0xc3: {  	s0 =	sor.u32 s1, s0  }
0xc4: {  	s0 =	sadd.s32 $0x8F2B, s0  }
0xc5: {  	[sflag:s0] =	ssyncadd.remote.s32 $0x1  }
0xc6: {  	_ =	sfence.sel $0xFFFF  }
0xc7: {  	[dreg:$0x0] =	wrdreg $0xFFFFFFFF;
	(pc) =	sbr.abs _section_cstart, $3  }
0xc8: {  	[dreg:$0x1] =	wrdreg $0xFFFFFFFF  }
0xc9: {  	_ =	task.clear_ibuf [dreg:s8], $0x2FFFF;
	_ =	strace $0x9FFFFFFF  }
0xca: {  	(tm) =	ssettm $0x7FFFFFFF  }
0xcb: {  	_ =	shalt  }
tec
execute0_lowered:
.L_overlay_start_1:
0x0: {  	(tag) =	ssettag $0x1  }
0x1: {  	s0 =	rddreg [dreg:$0x1]  }
0x2: {  	s1 =	srdreg.scid;
	s5 =	rddreg [dreg:$0x2]  }
0x3: {  	s4 =	stileid.u32;
	s2 =	rddreg [dreg:$0x3]  }
0x4: {  	s29 =	simm.s32 $0xD340;
	s30 =	simm.s32 $0x1;
	s31 =	simm.s32 $0x2  }
0x5: {  	s1 =	sand.u32 $0x1, s1;
	s3 =	sshll.u32 s4, $0x1;
	s8 =	smul.u32 $0x640000, s4  }
0x6: {  	s6 =	sor.u32 s1, s3;
	s12 =	ssub.s32 $0x2, s1;
	s1 =	smul.u32 $0x320000, s1  }
0x7: {  	s28 =	simm.s32 $0x8;
	s3 =	simm.s32 $0x0;
	s7 =	smul.u32 $0xC80, s6  }
0x8: {  	p0 =	sne.s32 s4, $0x0;
	[smem:$0x7FF] =	sst s3;
	s6 =	smul.u32 $0x320000, s6  }
0x9: {  	s4 =	simm.s32 $0x9;
	s9 =	sshrl.u32 s12, $0x1;
	_ =	strace $0x80000047  }
0xa: {  	s16 =	sadd.s32 s1, s8;
	s0 =	sadd.s32 s7, s0;
	s6 =	sshrl.u32 s6, $0x3  }
0xb: {  	s7 =	ssub.s32 s12, s9;
	s19 =	sor.u32 $0x5000, s16;
	s21 =	sor.u32 $0x3C00, s16  }
0xc: {  	s23 =	sor.u32 $0x2800, s16;
	s25 =	sor.u32 $0x1400, s16;
	s6 =	sadd.s32 s5, s6  }
0xd: {  	s0 =	sadd.s32 $0xC00, s0;
	s20 =	smax.u32 s7, $0x1;
	s1 =	sshrl.u32 s19, $0x3  }
0xe: {  	s22 =	sshrl.u32 s21, $0x3;
	s24 =	sshrl.u32 s23, $0x3;
	s26 =	sshrl.u32 s25, $0x3  }
0xf: {  	s19 =	simm.s32 $0x28;
	s21 =	simm.s32 $0x5;
	[dreg:$0x5] =	wrdreg s0  }
0x10: {  	s23 =	simm.s32 $0x6;
	s13 =	sadd.s32 $0x63380, s6;
	[dreg:$0xb] =	wrdreg s20  }
0x11: {  	s25 =	simm.s32 $0x7;
	s14 =	sadd.s32 $0x63600, s6;
	[dreg:$0x6] =	wrdreg s13  }
0x12: {  	s15 =	sadd.s32 $0x63880, s6;
	s17 =	sadd.s32 $0x63B00, s6;
	[dreg:$0x7] =	wrdreg s14  }
0x13: {  	s18 =	sadd.s32 $0x63D80, s6;
	s1 =	sadd.s32 s1, s5;
	[dreg:$0x8] =	wrdreg s15  }
0x14: {  	s12 =	sadd.s32 s22, s5;
	s0 =	sshrl.u32 s16, $0x3;
	[dreg:$0x9] =	wrdreg s17  }
0x15: {  	s20 =	simm.s32 $0x8340;
	s22 =	simm.s32 $0x9740;
	[dreg:$0xa] =	wrdreg s18  }
0x16: {  	s6 =	simm.s32 $0x0;
	[dreg:$0xc] =	wrdreg s1;
	s13 =	sadd.s32 s24, s5  }
0x17: {  	s14 =	sadd.s32 s26, s5;
	s15 =	sadd.s32 s0, s5;
	s0 =	sshrl.u32 @!p0 s2, $0x3  }
0x18: {  	s24 =	simm.s32 $0xAB40;
	s26 =	simm.s32 $0xBF40;
	s1 =	simm.s32 $0x3  }
0x19: {  	s5 =	simm.s32 $0xA;
	[dreg:$0xd] =	wrdreg s0;
	s0 =	simm.s32 $0x4  }
.LBB2_1:
0x1a: {  	s8 =	rddreg [dreg:$0x0]  }
0x1b: {  	s7 =	simm.s32 @!p0 $0x1C0B;
	s9 =	rddreg [dreg:$0xd]  }
0x1c: {  	[spmem:s9], [sflag:s7] =	dma.local @!p0 [hbm:s8], $0x3E80  }
0x1d: {  	s7 =	simm.s32 @!p0 $0xB  }
0x1e: {  	_ =	swait.ge @!p0 [sflag:s7], $0x3E80  }
0x1f: {  	s11 =	simm.s32 $0x1F40;
	[sflag:s7] =	ssyncset.done @!p0 $0x0  }
0x20: {  	s16 =	simm.s32 $0xB;
	s10 =	rddreg [dreg:$0x5];
	[sflag:s7] =	ssyncadd.s32 @!p0 $0xFFFFC180  }
0x21: {  	[tilespmem:s11], [sflag:$0xB] =	stream.linear.gather [hbm4b:s10+s3], $0x6400, $0x38;
	[tilespmem:$0xE740] =	vst v63  }
0x22: {  	_ =	swait.ge [sflag:s16], $0x6400  }
0x23: {  	[sflag:s16] =	ssyncset.done $0x0  }
0x24: {  	[sflag:s16] =	ssyncadd.s32 $0xFFFF9C00  }
0x25: {  	[bflag:$0x0] =	sbarrier.arrive $0xFFFF  }
0x26: {  	[tilespmem:s20], [sflag:$0x1] =	stream.indirect.gather [spmem:s2], $0x80, s11, s19, $0xb8;
	[tilespmem:$0xE740] =	vst v63  }
0x27: {  	s17 =	simm.s32 $0x1F68  }
0x28: {  	[tilespmem:s22], [sflag:$0x2] =	stream.indirect.gather [spmem:s2], $0x80, s17, s19, $0xb8;
	[tilespmem:$0xE740] =	vst v63  }
0x29: {  	s18 =	simm.s32 $0x1F90  }
0x2a: {  	[tilespmem:s24], [sflag:$0x3] =	stream.indirect.gather [spmem:s2], $0x80, s18, s19, $0xb8;
	[tilespmem:$0xE740] =	vst v63  }
0x2b: {  	s8 =	simm.s32 $0x1FB8  }
0x2c: {  	[tilespmem:s26], [sflag:$0x4] =	stream.indirect.gather [spmem:s2], $0x80, s8, s19, $0xb8;
	[tilespmem:$0xE740] =	vst v63  }
0x2d: {  	s9 =	simm.s32 $0x1FE0  }
0x2e: {  	[tilespmem:s29], [sflag:$0x5] =	stream.indirect.gather [spmem:s2], $0x80, s9, s19, $0xb8;
	[tilespmem:$0xE740] =	vst v63  }
0x2f: {  	_ =	swait.ge [sflag:s30], $0x1400  }
0x30: {  	[sflag:s30] =	ssyncset.done $0x0  }
0x31: {  	[sflag:s30] =	ssyncadd.s32 $0xFFFFEC00  }
0x32: {  	[hbm4b:s15+s3] =	stream.linear.scatter [tilespmem:s20], [sflag:$0x6], $0x1400, $0x38;
	[tilespmem:$0xE740] =	vst v63  }
0x33: {  	_ =	swait.ge [sflag:s31], $0x1400  }
0x34: {  	[sflag:s31] =	ssyncset.done $0x0  }
0x35: {  	[sflag:s31] =	ssyncadd.s32 $0xFFFFEC00  }
0x36: {  	[hbm4b:s14+s3] =	stream.linear.scatter [tilespmem:s22], [sflag:$0x7], $0x1400, $0x38;
	[tilespmem:$0xE740] =	vst v63  }
0x37: {  	_ =	swait.ge [sflag:s1], $0x1400  }
0x38: {  	[sflag:s1] =	ssyncset.done $0x0  }
0x39: {  	[sflag:s1] =	ssyncadd.s32 $0xFFFFEC00  }
0x3a: {  	[hbm4b:s13+s3] =	stream.linear.scatter [tilespmem:s24], [sflag:$0x8], $0x1400, $0x38;
	[tilespmem:$0xE740] =	vst v63  }
0x3b: {  	_ =	swait.ge [sflag:s0], $0x1400  }
0x3c: {  	[sflag:s0] =	ssyncset.done $0x0  }
0x3d: {  	[sflag:s0] =	ssyncadd.s32 $0xFFFFEC00  }
0x3e: {  	[hbm4b:s12+s3] =	stream.linear.scatter [tilespmem:s26], [sflag:$0x9], $0x1400, $0x38;
	[tilespmem:$0xE740] =	vst v63  }
0x3f: {  	_ =	swait.ge [sflag:s21], $0x1400  }
0x40: {  	[sflag:s21] =	ssyncset.done $0x0  }
0x41: {  	s11 =	rddreg [dreg:$0xc];
	[sflag:s21] =	ssyncadd.s32 $0xFFFFEC00  }
0x42: {  	[hbm4b:s11+s3] =	stream.linear.scatter [tilespmem:s29], [sflag:$0xA], $0x1400, $0x38;
	[tilespmem:$0xE740] =	vst v63  }
0x43: {  	_ =	swait.ge [sflag:s23], $0x1400  }
0x44: {  	[sflag:s23] =	ssyncset.done $0x0  }
0x45: {  	s10 =	simm.s32 $0x2008;
	[sflag:s23] =	ssyncadd.s32 $0xFFFFEC00  }
0x46: {  	[tilespmem:s20], [sflag:$0x1] =	stream.indirect.gather [spmem:s2], $0x80, s10, s19, $0xb8;
	[tilespmem:$0xE740] =	vst v63  }
0x47: {  	_ =	swait.ge [sflag:s25], $0x1400  }
0x48: {  	[sflag:s25] =	ssyncset.done $0x0  }
0x49: {  	s16 =	simm.s32 $0x2030;
	[sflag:s25] =	ssyncadd.s32 $0xFFFFEC00  }
0x4a: {  	[tilespmem:s22], [sflag:$0x2] =	stream.indirect.gather [spmem:s2], $0x80, s16, s19, $0xb8;
	[tilespmem:$0xE740] =	vst v63  }
0x4b: {  	_ =	swait.ge [sflag:s28], $0x1400  }
0x4c: {  	[sflag:s28] =	ssyncset.done $0x0  }
0x4d: {  	s17 =	simm.s32 $0x2058;
	[sflag:s28] =	ssyncadd.s32 $0xFFFFEC00  }
0x4e: {  	[tilespmem:s24], [sflag:$0x3] =	stream.indirect.gather [spmem:s2], $0x80, s17, s19, $0xb8;
	[tilespmem:$0xE740] =	vst v63  }
0x4f: {  	_ =	swait.ge [sflag:s4], $0x1400  }
0x50: {  	[sflag:s4] =	ssyncset.done $0x0  }
0x51: {  	s7 =	simm.s32 $0x320;
	s18 =	simm.s32 $0x2080;
	[sflag:s4] =	ssyncadd.s32 $0xFFFFEC00  }
0x52: {  	[tilespmem:s26], [sflag:$0x4] =	stream.indirect.gather [spmem:s2], $0x80, s18, s19, $0xb8;
	[tilespmem:$0xE740] =	vst v63  }
0x53: {  	s8 =	sadd.s32 $0xC80, s14;
	s9 =	sadd.s32 $0xC80, s15;
	_ =	swait.ge [sflag:s5], $0x1400  }
0x54: {  	s10 =	sadd.s32 $0xC80, s12;
	s16 =	sadd.s32 $0xC80, s11;
	[sflag:s5] =	ssyncset.done $0x0  }
0x55: {  	s17 =	sadd.s32 $0xC80, s13;
	s18 =	simm.s32 $0x20A8;
	[sflag:s5] =	ssyncadd.s32 $0xFFFFEC00  }
.LBB2_2:
0x56: {  	[tilespmem:s29], [sflag:$0x5] =	stream.indirect.gather [spmem:s2], $0x80, s18, s19, $0xb8;
	[tilespmem:$0xE740] =	vst v63  }
0x57: {  	s18 =	smov.u32 s7  }
0x58: {  	p1 =	sne.s32 s7, $0x189C0;
	s7 =	sadd.s32 $0x320, s7;
	_ =	swait.ge [sflag:s30], $0x1400  }
0x59: {  	[sflag:s30] =	ssyncset.done $0x0  }
0x5a: {  	[sflag:s30] =	ssyncadd.s32 $0xFFFFEC00  }
0x5b: {  	[hbm4b:s9+s3] =	stream.linear.scatter [tilespmem:s20], [sflag:$0x6], $0x1400, $0x38;
	[tilespmem:$0xE740] =	vst v63  }
0x5c: {  	_ =	swait.ge [sflag:s31], $0x1400  }
0x5d: {  	[sflag:s31] =	ssyncset.done $0x0  }
0x5e: {  	[sflag:s31] =	ssyncadd.s32 $0xFFFFEC00  }
0x5f: {  	[hbm4b:s8+s3] =	stream.linear.scatter [tilespmem:s22], [sflag:$0x7], $0x1400, $0x38;
	[tilespmem:$0xE740] =	vst v63  }
0x60: {  	_ =	swait.ge [sflag:s1], $0x1400  }
0x61: {  	[sflag:s1] =	ssyncset.done $0x0  }
0x62: {  	[sflag:s1] =	ssyncadd.s32 $0xFFFFEC00  }
0x63: {  	[hbm4b:s17+s3] =	stream.linear.scatter [tilespmem:s24], [sflag:$0x8], $0x1400, $0x38;
	[tilespmem:$0xE740] =	vst v63  }
0x64: {  	_ =	swait.ge [sflag:s0], $0x1400  }
0x65: {  	[sflag:s0] =	ssyncset.done $0x0  }
0x66: {  	[sflag:s0] =	ssyncadd.s32 $0xFFFFEC00  }
0x67: {  	[hbm4b:s10+s3] =	stream.linear.scatter [tilespmem:s26], [sflag:$0x9], $0x1400, $0x38;
	[tilespmem:$0xE740] =	vst v63  }
0x68: {  	_ =	swait.ge [sflag:s21], $0x1400  }
0x69: {  	[sflag:s21] =	ssyncset.done $0x0  }
0x6a: {  	[sflag:s21] =	ssyncadd.s32 $0xFFFFEC00  }
0x6b: {  	[hbm4b:s16+s3] =	stream.linear.scatter [tilespmem:s29], [sflag:$0xA], $0x1400, $0x38;
	[tilespmem:$0xE740] =	vst v63  }
0x6c: {  	_ =	swait.ge [sflag:s23], $0x1400  }
0x6d: {  	s18 =	sshra.s32 s18, $0x2;
	[sflag:s23] =	ssyncset.done $0x0  }
0x6e: {  	s11 =	sadd.s32 $0x2008, s18;
	[sflag:s23] =	ssyncadd.s32 $0xFFFFEC00  }
0x6f: {  	[tilespmem:s20], [sflag:$0x1] =	stream.indirect.gather [spmem:s2], $0x80, s11, s19, $0xb8;
	[tilespmem:$0xE740] =	vst v63  }
0x70: {  	_ =	swait.ge [sflag:s25], $0x1400  }
0x71: {  	[sflag:s25] =	ssyncset.done $0x0  }
0x72: {  	s11 =	sadd.s32 $0x2030, s18;
	[sflag:s25] =	ssyncadd.s32 $0xFFFFEC00  }
0x73: {  	[tilespmem:s22], [sflag:$0x2] =	stream.indirect.gather [spmem:s2], $0x80, s11, s19, $0xb8;
	[tilespmem:$0xE740] =	vst v63  }
0x74: {  	_ =	swait.ge [sflag:s28], $0x1400  }
0x75: {  	[sflag:s28] =	ssyncset.done $0x0  }
0x76: {  	s11 =	sadd.s32 $0x2058, s18;
	[sflag:s28] =	ssyncadd.s32 $0xFFFFEC00  }
0x77: {  	[tilespmem:s24], [sflag:$0x3] =	stream.indirect.gather [spmem:s2], $0x80, s11, s19, $0xb8;
	[tilespmem:$0xE740] =	vst v63  }
0x78: {  	_ =	swait.ge [sflag:s4], $0x1400  }
0x79: {  	[sflag:s4] =	ssyncset.done $0x0  }
.Ltmp0:
0x7a: {  	s11 =	sadd.s32 $0x2080, s18;
	[sflag:s4] =	ssyncadd.s32 $0xFFFFEC00;
	(pc) =	sbr.rel @p1 .LBB2_2-.Ltmp0, $4  }
0x7b: {  	[tilespmem:s26], [sflag:$0x4] =	stream.indirect.gather [spmem:s2], $0x80, s11, s19, $0xb8;
	[tilespmem:$0xE740] =	vst v63  }
0x7c: {  	s9 =	sadd.s32 $0xC80, s9;
	s8 =	sadd.s32 $0xC80, s8;
	_ =	swait.ge [sflag:s5], $0x1400  }
0x7d: {  	s17 =	sadd.s32 $0xC80, s17;
	s10 =	sadd.s32 $0xC80, s10;
	[sflag:s5] =	ssyncset.done $0x0  }
0x7e: {  	s16 =	sadd.s32 $0xC80, s16;
	s18 =	sadd.s32 $0x20A8, s18;
	[sflag:s5] =	ssyncadd.s32 $0xFFFFEC00  }
0x7f: {  	[tilespmem:s29], [sflag:$0x5] =	stream.indirect.gather [spmem:s2], $0x80, s18, s19, $0xb8;
	[tilespmem:$0xE740] =	vst v63  }
0x80: {  	_ =	swait.ge [sflag:s30], $0x1400  }
0x81: {  	[sflag:s30] =	ssyncset.done $0x0  }
0x82: {  	s7 =	rddreg [dreg:$0x6];
	[sflag:s30] =	ssyncadd.s32 $0xFFFFEC00  }
0x83: {  	[hbm4b:s7+s3] =	stream.linear.scatter [tilespmem:s20], [sflag:$0x6], $0x1400, $0x38;
	[tilespmem:$0xE740] =	vst v63  }
0x84: {  	_ =	swait.ge [sflag:s31], $0x1400  }
0x85: {  	[sflag:s31] =	ssyncset.done $0x0  }
0x86: {  	s10 =	rddreg [dreg:$0x7];
	[sflag:s31] =	ssyncadd.s32 $0xFFFFEC00  }
0x87: {  	[hbm4b:s10+s3] =	stream.linear.scatter [tilespmem:s22], [sflag:$0x7], $0x1400, $0x38;
	[tilespmem:$0xE740] =	vst v63  }
0x88: {  	_ =	swait.ge [sflag:s1], $0x1400  }
0x89: {  	[sflag:s1] =	ssyncset.done $0x0  }
0x8a: {  	s11 =	rddreg [dreg:$0x8];
	[sflag:s1] =	ssyncadd.s32 $0xFFFFEC00  }
0x8b: {  	[hbm4b:s11+s3] =	stream.linear.scatter [tilespmem:s24], [sflag:$0x8], $0x1400, $0x38;
	[tilespmem:$0xE740] =	vst v63  }
0x8c: {  	_ =	swait.ge [sflag:s0], $0x1400  }
0x8d: {  	[sflag:s0] =	ssyncset.done $0x0  }
0x8e: {  	s16 =	rddreg [dreg:$0x9];
	[sflag:s0] =	ssyncadd.s32 $0xFFFFEC00  }
0x8f: {  	[hbm4b:s16+s3] =	stream.linear.scatter [tilespmem:s26], [sflag:$0x9], $0x1400, $0x38;
	[tilespmem:$0xE740] =	vst v63  }
0x90: {  	_ =	swait.ge [sflag:s21], $0x1400  }
0x91: {  	[sflag:s21] =	ssyncset.done $0x0  }
0x92: {  	s17 =	rddreg [dreg:$0xa];
	[sflag:s21] =	ssyncadd.s32 $0xFFFFEC00  }
0x93: {  	[hbm4b:s17+s3] =	stream.linear.scatter [tilespmem:s29], [sflag:$0xA], $0x1400, $0x38;
	[tilespmem:$0xE740] =	vst v63  }
0x94: {  	_ =	swait.ge [sflag:s23], $0x1400  }
0x95: {  	[sflag:s23] =	ssyncset.done $0x0  }
0x96: {  	[sflag:s23] =	ssyncadd.s32 $0xFFFFEC00  }
0x97: {  	_ =	swait.ge [sflag:s25], $0x1400  }
0x98: {  	[sflag:s25] =	ssyncset.done $0x0  }
0x99: {  	[sflag:s25] =	ssyncadd.s32 $0xFFFFEC00  }
0x9a: {  	_ =	swait.ge [sflag:s28], $0x1400  }
0x9b: {  	[sflag:s28] =	ssyncset.done $0x0  }
0x9c: {  	[sflag:s28] =	ssyncadd.s32 $0xFFFFEC00  }
0x9d: {  	_ =	swait.ge [sflag:s4], $0x1400  }
0x9e: {  	[sflag:s4] =	ssyncset.done $0x0  }
0x9f: {  	[sflag:s4] =	ssyncadd.s32 $0xFFFFEC00  }
0xa0: {  	_ =	swait.ge [sflag:s5], $0x1400  }
0xa1: {  	s6 =	sadd.s32 $0x1, s6;
	s18 =	rddreg [dreg:$0xb]  }
0xa2: {  	p1 =	sne.s32 s6, s18  }
.Ltmp1:
0xa3: {  	_ = 	snop;
	(pc) =	sbr.rel @p1 .LBB2_1-.Ltmp1, $3  }
0xa4: {  	_ =	sdelay $0x1  }
0xa5: {  	[sflag:s5] =	ssyncset.done $0x0  }
0xa6: {  	[sflag:s5] =	ssyncadd.s32 $0xFFFFEC00  }
0xa7: {  	_ =	sfence.sel $0x180000  }
0xa8: {  	[bflag:$0x0] =	sbarrier.arrive $0xFFFF  }
0xa9: {  	_ =	strace $0x90000047  }
0xaa: {  	[bflag:$0x2] =	sbarrier.arrive $0xFFFF  }
0xab: {  	s0 =	rddreg [dreg:$0x4]  }
0xac: {  	s0 =	sadd.s32 @!p0 $0x100000, s0  }
0xad: {  	[sflag:s0] =	ssyncadd.tile.s32 @!p0 $0x1;
	_ =	shalt  }
.Lfunc_end2:
_tile_overlayer_lowered:
.L_overlay_start_2:
0xae: {  	(tag) =	ssettag $0x2  }
0xaf: {  	s0 =	rddreg [dreg:$0x0];
	s2 =	stileid.u32  }
0xb0: {  	s1 =	rddreg [dreg:$0x1];
	p0 =	sne.s32 s2, $0x0  }
0xb1: {  	s3 =	rddreg [dreg:$0x2];
	[bflag:$0x3] =	sbarrier.arrive $0xFFFF;
	s2 =	simm.s32 @!p0 $0x1C0B  }
0xb2: {  	[timem:s3], [sflag:s2] =	dma.local @!p0 [hbm:s0], s1  }
0xb3: {  	s0 =	simm.s32 @!p0 $0xB  }
0xb4: {  	_ =	swait.ge @!p0 [sflag:s0], s1  }
0xb5: {  	s1 =	ssub.s32 @!p0 $0x0, s1;
	[sflag:s0] =	ssyncset.done @!p0 $0x0  }
0xb6: {  	[sflag:s0] =	ssyncadd.s32 @!p0 s1  }
0xb7: {  	[bflag:$0x3] =	sbarrier.arrive $0xFFFF  }
0xb8: {  	_ =	shalt  }

</sc_bundles>
